<compile_context>
chip_gen: v7x
topology: tpu7x:2x2x1
jax: 0.10.2.dev20260603
libtpu: 0.0.44.dev20260713+nightly
codegen_flags: <defaults>
</compile_context>

<pallas_src>
import dataclasses
import functools

import jax
import jax.numpy as jnp
from jax import lax
from jax.experimental import pallas as pl
from jax.experimental.pallas import tpu as pltpu
from jax.experimental.pallas import tpu_sc as plsc

N_EXP = 8
TOPK = 2
H = 1024
DFF = 2816
DFF_HALF = DFF // 2
DFFS = 1408
T = 2048
NPAIR = T * TOPK
BT = 256
NB = (NPAIR + N_EXP * BT) // BT
R = NB * BT

NW = 32

_SC_MESH = dict(core_axis_name="c", subcore_axis_name="s")

_SC_CP = pltpu.CompilerParams()
if "needs_layout_passes" in pltpu.CompilerParams.__dataclass_fields__:
  _SC_CP = dataclasses.replace(_SC_CP, needs_layout_passes=False)


def _sc_worker_id():
  return lax.axis_index("s") * 2 + lax.axis_index("c")


PR = 32
PL = NPAIR // PR


def _dispatch_plan(top_idx):
  p2 = top_idx.T.reshape(PR, PL).astype(jnp.int32)
  eids = jnp.arange(N_EXP, dtype=jnp.int32)
  ohb = (p2[None] == eids[:, None, None]).astype(jnp.bfloat16)
  tri = jnp.triu(jnp.ones((PL, PL), jnp.bfloat16))
  lane_cum = lax.dot_general(
      ohb.reshape(N_EXP * PR, PL), tri, (((1,), (0,)), ((), ())),
      preferred_element_type=jnp.float32).reshape(N_EXP, PR, PL)
  oh = ohb.astype(jnp.float32)
  row_tot = lane_cum[:, :, -1]
  tri32 = jnp.triu(jnp.ones((PR, PR), jnp.float32))
  row_cum = lax.dot_general(
      row_tot, tri32, (((1,), (0,)), ((), ())),
      precision=lax.Precision.HIGHEST,
      preferred_element_type=jnp.float32)
  row_off = row_cum - row_tot
  cum_excl = lane_cum - oh + row_off[:, :, None]
  pos = jnp.sum(cum_excl * oh, axis=0)
  counts = row_cum[:, -1].astype(jnp.int32)
  padded = ((counts + BT - 1) // BT) * BT
  offs = jnp.concatenate(
      [jnp.zeros((1,), jnp.int32), jnp.cumsum(padded).astype(jnp.int32)])
  off_sel = jnp.sum(offs[:N_EXP].astype(jnp.float32)[:, None, None] * oh,
                    axis=0)
  dest = (pos + off_sel).astype(jnp.int32).reshape(NPAIR)
  total = offs[N_EXP]
  starts = jnp.arange(NB, dtype=jnp.int32) * BT
  be_raw = jnp.sum((offs[1:N_EXP][None, :] <= starts[:, None])
                   .astype(jnp.int32), axis=1)
  nb_used = total // BT
  be_last = jnp.take(be_raw, jnp.maximum(nb_used - 1, 0))
  block_expert = jnp.where(starts < total, be_raw, be_last)
  return dest, block_expert, nb_used


def _sc_dispatch(x_flat, dest, w_flat):
  per_w = R // NW
  ch = per_w // 4
  VL = 16
  tok_pair = jnp.arange(NPAIR, dtype=jnp.int32) % T
  rt_default = jnp.arange(R, dtype=jnp.int32) % T

  @functools.partial(
      pl.kernel,
      mesh=plsc.VectorSubcoreMesh(**_SC_MESH),
      out_type=[
          jax.ShapeDtypeStruct((R, H), jnp.float32),
          jax.ShapeDtypeStruct((R,), jnp.float32),
      ],
      compiler_params=_SC_CP,
      scratch_types=[
          pltpu.VMEM((NPAIR,), jnp.int32),
          pltpu.VMEM((NPAIR,), jnp.int32),
          pltpu.VMEM((NPAIR,), jnp.float32),
          pltpu.VMEM((per_w,), jnp.int32),
          pltpu.VMEM((per_w,), jnp.float32),
          pltpu.VMEM((ch, H), jnp.float32),
          pltpu.VMEM((ch, H), jnp.float32),
          pltpu.SemaphoreType.DMA,
          pltpu.SemaphoreType.DMA,
      ])
  def k(x_hbm, dest_hbm, tok_hbm, w_hbm, rtd_hbm, xs_hbm, wrow_hbm,
        dest_v, tok_v, w_v, rt_l, w_l, r0, r1, s0, s1):
    base = _sc_worker_id() * per_w
    pltpu.sync_copy(rtd_hbm.at[pl.ds(base, per_w)], rt_l)
    pltpu.sync_copy(dest_hbm, dest_v)
    pltpu.sync_copy(tok_hbm, tok_v)
    pltpu.sync_copy(w_hbm, w_v)

    @pl.loop(0, per_w, step=VL)
    def _(i):
      w_l.at[pl.ds(i, VL)][...] = jnp.zeros((VL,), jnp.float32)

    @pl.loop(0, NPAIR, step=VL)
    def _(p):
      local = dest_v.at[pl.ds(p, VL)][...] - base
      m = jnp.logical_and(local >= 0, local < per_w)
      plsc.store_scatter(rt_l, [local], tok_v.at[pl.ds(p, VL)][...], mask=m)
      plsc.store_scatter(w_l, [local], w_v.at[pl.ds(p, VL)][...], mask=m)

    pltpu.sync_copy(w_l, wrow_hbm.at[pl.ds(base, per_w)])
    c0 = pltpu.async_copy(x_hbm.at[rt_l.at[pl.ds(0 * ch, ch)]], r0, s0)
    c1 = pltpu.async_copy(x_hbm.at[rt_l.at[pl.ds(1 * ch, ch)]], r1, s1)
    c0.wait()
    pltpu.sync_copy(r0, xs_hbm.at[pl.ds(base + 0 * ch, ch)])
    c2 = pltpu.async_copy(x_hbm.at[rt_l.at[pl.ds(2 * ch, ch)]], r0, s0)
    c1.wait()
    pltpu.sync_copy(r1, xs_hbm.at[pl.ds(base + 1 * ch, ch)])
    c3 = pltpu.async_copy(x_hbm.at[rt_l.at[pl.ds(3 * ch, ch)]], r1, s1)
    c2.wait()
    pltpu.sync_copy(r0, xs_hbm.at[pl.ds(base + 2 * ch, ch)])
    c3.wait()
    pltpu.sync_copy(r1, xs_hbm.at[pl.ds(base + 3 * ch, ch)])

  return k(x_flat, dest, tok_pair, w_flat, rt_default)


def _sc_pair_gather(y_rows, d_all):
  per_w = (2 * T) // NW
  ch = per_w // 4

  @functools.partial(
      pl.kernel,
      mesh=plsc.VectorSubcoreMesh(**_SC_MESH),
      out_type=jax.ShapeDtypeStruct((2 * T, H), jnp.float32),
      scratch_types=[
          pltpu.VMEM((ch,), jnp.int32),
          pltpu.VMEM((ch,), jnp.int32),
          pltpu.VMEM((ch, H), jnp.float32),
          pltpu.VMEM((ch, H), jnp.float32),
          pltpu.SemaphoreType.DMA,
          pltpu.SemaphoreType.DMA,
      ])
  def k(y_hbm, i_hbm, o_hbm, i0, i1, r0, r1, s0, s1):
    base = _sc_worker_id() * per_w
    pltpu.sync_copy(i_hbm.at[pl.ds(base + 0 * ch, ch)], i0)
    c0 = pltpu.async_copy(y_hbm.at[i0], r0, s0)
    pltpu.sync_copy(i_hbm.at[pl.ds(base + 1 * ch, ch)], i1)
    c1 = pltpu.async_copy(y_hbm.at[i1], r1, s1)
    c0.wait()
    pltpu.sync_copy(r0, o_hbm.at[pl.ds(base + 0 * ch, ch)])
    pltpu.sync_copy(i_hbm.at[pl.ds(base + 2 * ch, ch)], i0)
    c2 = pltpu.async_copy(y_hbm.at[i0], r0, s0)
    c1.wait()
    pltpu.sync_copy(r1, o_hbm.at[pl.ds(base + 1 * ch, ch)])
    pltpu.sync_copy(i_hbm.at[pl.ds(base + 3 * ch, ch)], i1)
    c3 = pltpu.async_copy(y_hbm.at[i1], r1, s1)
    c2.wait()
    pltpu.sync_copy(r0, o_hbm.at[pl.ds(base + 2 * ch, ch)])
    c3.wait()
    pltpu.sync_copy(r1, o_hbm.at[pl.ds(base + 3 * ch, ch)])

  return k(y_rows, d_all)


def _tc_gate_up(xs, Wg, Wu, block_expert, nb_used):

  def body(be_ref, nb_ref, xs_ref, wg_ref, wu_ref, h_ref):
    i = pl.program_id(1)

    @pl.when(i < nb_ref[0])
    def _():
      xb = xs_ref[...].astype(jnp.bfloat16)
      wg = wg_ref[0].astype(jnp.bfloat16)
      wu = wu_ref[0].astype(jnp.bfloat16)
      g = lax.dot_general(xb, wg, (((1,), (1,)), ((), ())),
                          preferred_element_type=jnp.float32)
      u = lax.dot_general(xb, wu, (((1,), (1,)), ((), ())),
                          preferred_element_type=jnp.float32)
      gb = g.astype(jnp.bfloat16)
      h_ref[...] = jax.nn.silu(gb) * u.astype(jnp.bfloat16)

  grid_spec = pltpu.PrefetchScalarGridSpec(
      num_scalar_prefetch=2,
      grid=(2, NB),
      in_specs=[
          pl.BlockSpec((BT, H), lambda j, i, be, nb: (i, 0)),
          pl.BlockSpec((1, DFF_HALF, H), lambda j, i, be, nb: (be[i], j, 0)),
          pl.BlockSpec((1, DFF_HALF, H), lambda j, i, be, nb: (be[i], j, 0)),
      ],
      out_specs=pl.BlockSpec((BT, DFF_HALF), lambda j, i, be, nb: (i, j)),
  )
  return pl.pallas_call(
      body,
      grid_spec=grid_spec,
      out_shape=jax.ShapeDtypeStruct((R, DFF), jnp.bfloat16),
      compiler_params=pltpu.CompilerParams(
          dimension_semantics=("arbitrary", "arbitrary")),
  )(block_expert, nb_used, xs, Wg, Wu)


def _tc_down(h, Wd, w_row, block_expert, nb_used):

  def body(be_ref, nb_ref, h_ref, wd_ref, w_ref, y_ref):
    i = pl.program_id(0)

    @pl.when(i < nb_ref[0])
    def _():
      hb = h_ref[...]
      wd = wd_ref[0].astype(jnp.bfloat16)
      y = lax.dot_general(hb, wd, (((1,), (1,)), ((), ())),
                          preferred_element_type=jnp.float32)
      y_ref[...] = y * w_ref[...]

  grid_spec = pltpu.PrefetchScalarGridSpec(
      num_scalar_prefetch=2,
      grid=(NB,),
      in_specs=[
          pl.BlockSpec((BT, DFF), lambda i, be, nb: (i, 0)),
          pl.BlockSpec((1, H, DFF), lambda i, be, nb: (be[i], 0, 0)),
          pl.BlockSpec((BT, 1), lambda i, be, nb: (i, 0)),
      ],
      out_specs=pl.BlockSpec((BT, H), lambda i, be, nb: (i, 0)),
  )
  return pl.pallas_call(
      body,
      grid_spec=grid_spec,
      out_shape=jax.ShapeDtypeStruct((R, H), jnp.float32),
      compiler_params=pltpu.CompilerParams(
          dimension_semantics=("arbitrary",)),
  )(block_expert, nb_used, h, Wd, w_row)


def _tc_shared_combine(x_flat, Wsg, Wsu, Wsd, ab):
  BTS = 256

  def body(x_ref, wg_ref, wu_ref, wd_ref, a_ref, b_ref, o_ref):
    xb = x_ref[...].astype(jnp.bfloat16)
    wg = wg_ref[...].astype(jnp.bfloat16)
    wu = wu_ref[...].astype(jnp.bfloat16)
    g = lax.dot_general(xb, wg, (((1,), (1,)), ((), ())),
                        preferred_element_type=jnp.float32)
    u = lax.dot_general(xb, wu, (((1,), (1,)), ((), ())),
                        preferred_element_type=jnp.float32)
    hb = (jax.nn.silu(g) * u).astype(jnp.bfloat16)
    wd = wd_ref[...].astype(jnp.bfloat16)
    s = lax.dot_general(hb, wd, (((1,), (1,)), ((), ())),
                        preferred_element_type=jnp.float32)
    o_ref[...] = s + a_ref[...] + b_ref[...]

  return pl.pallas_call(
      body,
      grid=(T // BTS,),
      in_specs=[
          pl.BlockSpec((BTS, H), lambda i: (i, 0)),
          pl.BlockSpec((DFFS, H), lambda i: (0, 0)),
          pl.BlockSpec((DFFS, H), lambda i: (0, 0)),
          pl.BlockSpec((H, DFFS), lambda i: (0, 0)),
          pl.BlockSpec((BTS, H), lambda i: (i, 0)),
          pl.BlockSpec((BTS, H), lambda i: (i + T // BTS, 0)),
      ],
      out_specs=pl.BlockSpec((BTS, H), lambda i: (i, 0)),
      out_shape=jax.ShapeDtypeStruct((T, H), jnp.float32),
      compiler_params=pltpu.CompilerParams(
          dimension_semantics=("parallel",)),
  )(x_flat, Wsg, Wsu, Wsd, ab, ab)


def kernel(x, Wr, expert_bias, Wg, Wu, Wd, Wsg, Wsu, Wsd):
  B, S, _ = x.shape
  x_flat = x.reshape(-1, H)

  router_logits = x_flat @ Wr.T + expert_bias
  top_k_logits, top_k_indices = lax.top_k(router_logits, TOPK)
  sm = jax.nn.softmax(top_k_logits, axis=-1)

  dest, block_expert, nb_used = _dispatch_plan(top_k_indices)

  xs, w_row = _sc_dispatch(x_flat, dest, sm.T.reshape(-1))
  h = _tc_gate_up(xs, Wg, Wu, block_expert, nb_used.reshape(1))
  y = _tc_down(h, Wd, w_row.reshape(R, 1), block_expert, nb_used.reshape(1))

  ab = _sc_pair_gather(y, dest)
  out = _tc_shared_combine(x_flat, Wsg, Wsu, Wsd, ab)
  return out.reshape(B, S, H)

# --- scband reference (transcript-rebuilt; emitter-appended) ---
"""Pipeline reference for scband-mo-elayer-5609227288847 (READ-ONLY COPY).

The authoritative reference and input builder live on the scoring server;
editing this copy changes nothing except your own understanding.
"""

import jax, jax.numpy as jnp
import numpy as np

N_EXPERTS = 8
TOP_K = 2
N_EMBD = 1024
D_FF = 2816
D_FF_SHARED = 1408

def setup_inputs(seed: int = 0) -> dict:
    key = jax.random.key(seed)
    ks = jax.random.split(key, 10)
    x = jax.random.normal(ks[0], (1, 2048, N_EMBD), dtype=jnp.float32)
    Wr = jax.random.normal(ks[1], (N_EXPERTS, N_EMBD), dtype=jnp.float32) * 0.02
    expert_bias = jnp.zeros((N_EXPERTS,), dtype=jnp.float32)
    Wg = jax.random.normal(ks[2], (N_EXPERTS, D_FF, N_EMBD), dtype=jnp.float32) * 0.02
    Wu = jax.random.normal(ks[3], (N_EXPERTS, D_FF, N_EMBD), dtype=jnp.float32) * 0.02
    Wd = jax.random.normal(ks[4], (N_EXPERTS, N_EMBD, D_FF), dtype=jnp.float32) * 0.02
    Wsg = jax.random.normal(ks[5], (D_FF_SHARED, N_EMBD), dtype=jnp.float32) * 0.02
    Wsu = jax.random.normal(ks[6], (D_FF_SHARED, N_EMBD), dtype=jnp.float32) * 0.02
    Wsd = jax.random.normal(ks[7], (N_EMBD, D_FF_SHARED), dtype=jnp.float32) * 0.02
    return {"x": x, "Wr": Wr, "expert_bias": expert_bias, "Wg": Wg, "Wu": Wu, "Wd": Wd, "Wsg": Wsg, "Wsu": Wsu, "Wsd": Wsd}

def _swiglu(x, Wg, Wu, Wd):
    return (jax.nn.silu(x @ Wg.T) * (x @ Wu.T)) @ Wd.T

def reference(x, Wr, expert_bias, Wg, Wu, Wd, Wsg, Wsu, Wsd):
    B, S, H = x.shape
    x_flat = x.reshape(-1, H)
    T = x_flat.shape[0]
    router_logits = x_flat @ Wr.T + expert_bias
    top_k_logits, top_k_indices = jax.lax.top_k(router_logits, TOP_K)
    sm = jax.nn.softmax(top_k_logits, axis=-1)
    routing_weights = jnp.zeros_like(router_logits).at[jnp.arange(T)[:, None], top_k_indices].set(sm)
    output = jnp.zeros_like(x_flat)
    for e in range(N_EXPERTS):
        expert_out = _swiglu(x_flat, Wg[e], Wu[e], Wd[e])
        output = output + expert_out * routing_weights[:, e:e + 1]
    output = output + _swiglu(x_flat, Wsg, Wsu, Wsd)
    return output.reshape(B, S, H)

if __name__ == "__main__":
    import jax
    _d = setup_inputs()
    print(jax.jit(kernel)(*tuple(_d.values())))

</pallas_src>

<mosaic_0001>
#map = affine_map<(d0, d1) -> (0, 0)>
#map1 = affine_map<(d0, d1) -> (0)>
module attributes {stable_mosaic.version = 14 : i64} {
  func.func @k(%arg0: i32, %arg1: i32, %arg2: memref<6144x1024xf32, #tpu.memory_space<hbm>>, %arg3: memref<4096xi32, #tpu.memory_space<hbm>>, %arg4: memref<4096x1024xf32, #tpu.memory_space<hbm>>, %arg5: memref<32xi32, #tpu.memory_space<vmem>>, %arg6: memref<32xi32, #tpu.memory_space<vmem>>, %arg7: memref<32x1024xf32, #tpu.memory_space<vmem>>, %arg8: memref<32x1024xf32, #tpu.memory_space<vmem>>, %arg9: memref<!tpu.dma_semaphore, #tpu.memory_space<semaphore_mem>>, %arg10: memref<!tpu.dma_semaphore, #tpu.memory_space<semaphore_mem>>) attributes {dimension_semantics = [#tpu.dimension_semantics<core_parallel>, #tpu.dimension_semantics<subcore_parallel>], iteration_bounds = array<i64: 2, 16>, scalar_prefetch = 0 : i64, scratch_operands = 6 : i64, tpu.core_type = #tpu.core_type<sc_vector_subcore>, window_params = [{transform_indices = #map}, {transform_indices = #map1}, {transform_indices = #map}]} {
    %mul3A = arith.constant 2 : i32
    %mul3A_0 = arith.muli %arg1, %mul3A : i32
    %add3A = arith.addi %mul3A_0, %arg0 : i32
    %mul3A_1 = arith.constant 128 : i32
    %mul3A_2 = arith.muli %add3A, %mul3A_1 : i32
    %add3A_3 = arith.constant 0 : i32
    %add3A_4 = arith.addi %mul3A_2, %add3A_3 : i32
    "tpu.region"() ({
      %run_scoped3A = tpu.sem_alloc : memref<!tpu.dma_semaphore, #tpu.memory_space<semaphore_mem>>
      %dma_start3A_41 = tpu.memref_slice %arg3[%add3A_4] : memref<4096xi32, #tpu.memory_space<hbm>> -> memref<32xi32, #tpu.memory_space<hbm>>
      %dma_start3A_42 = tpu.memref_slice %arg3[%add3A_4] : memref<4096xi32, #tpu.memory_space<hbm>> -> memref<32xi32, #tpu.memory_space<hbm>>
      tpu.enqueue_dma source(%dma_start3A_42 : memref<32xi32, #tpu.memory_space<hbm>>) target(%arg5 : memref<32xi32, #tpu.memory_space<vmem>>) target_semaphore(%run_scoped3A : memref<!tpu.dma_semaphore, #tpu.memory_space<semaphore_mem>>)
      %dma_wait3A_43 = tpu.memref_slice %arg3[%add3A_4] : memref<4096xi32, #tpu.memory_space<hbm>> -> memref<32xi32, #tpu.memory_space<hbm>>
      %dma_wait3A_44 = tpu.memref_slice %arg3[%add3A_4] : memref<4096xi32, #tpu.memory_space<hbm>> -> memref<32xi32, #tpu.memory_space<hbm>>
      tpu.wait_dma2 semaphore(%run_scoped3A : memref<!tpu.dma_semaphore, #tpu.memory_space<semaphore_mem>>) src(%dma_wait3A_44 : memref<32xi32, #tpu.memory_space<hbm>>) dst(%arg5 : memref<32xi32, #tpu.memory_space<vmem>>)
      tpu.yield
    }) : () -> ()
    %dma_start3A = arith.constant 0 : i32
    %dma_start3A_5 = arith.constant 0 : i32
    %dma_start3A_6 = tpu.memref_slice %arg2[%dma_start3A, %dma_start3A_5] : memref<6144x1024xf32, #tpu.memory_space<hbm>> -> memref<6144x1024xf32, #tpu.memory_space<hbm>>
    tpu.enqueue_indirect_dma source(%dma_start3A_6 : memref<6144x1024xf32, #tpu.memory_space<hbm>>) target(%arg7 : memref<32x1024xf32, #tpu.memory_space<vmem>>) offsets(%arg5 : memref<32xi32, #tpu.memory_space<vmem>>) semaphore(%arg9 : memref<!tpu.dma_semaphore, #tpu.memory_space<semaphore_mem>>)
    %add3A_7 = arith.constant 32 : i32
    %add3A_8 = arith.addi %mul3A_2, %add3A_7 : i32
    "tpu.region"() ({
      %run_scoped3A = tpu.sem_alloc : memref<!tpu.dma_semaphore, #tpu.memory_space<semaphore_mem>>
      %dma_start3A_41 = tpu.memref_slice %arg3[%add3A_8] : memref<4096xi32, #tpu.memory_space<hbm>> -> memref<32xi32, #tpu.memory_space<hbm>>
      %dma_start3A_42 = tpu.memref_slice %arg3[%add3A_8] : memref<4096xi32, #tpu.memory_space<hbm>> -> memref<32xi32, #tpu.memory_space<hbm>>
      tpu.enqueue_dma source(%dma_start3A_42 : memref<32xi32, #tpu.memory_space<hbm>>) target(%arg6 : memref<32xi32, #tpu.memory_space<vmem>>) target_semaphore(%run_scoped3A : memref<!tpu.dma_semaphore, #tpu.memory_space<semaphore_mem>>)
      %dma_wait3A_43 = tpu.memref_slice %arg3[%add3A_8] : memref<4096xi32, #tpu.memory_space<hbm>> -> memref<32xi32, #tpu.memory_space<hbm>>
      %dma_wait3A_44 = tpu.memref_slice %arg3[%add3A_8] : memref<4096xi32, #tpu.memory_space<hbm>> -> memref<32xi32, #tpu.memory_space<hbm>>
      tpu.wait_dma2 semaphore(%run_scoped3A : memref<!tpu.dma_semaphore, #tpu.memory_space<semaphore_mem>>) src(%dma_wait3A_44 : memref<32xi32, #tpu.memory_space<hbm>>) dst(%arg6 : memref<32xi32, #tpu.memory_space<vmem>>)
      tpu.yield
    }) : () -> ()
    %dma_start3A_9 = arith.constant 0 : i32
    %dma_start3A_10 = arith.constant 0 : i32
    %dma_start3A_11 = tpu.memref_slice %arg2[%dma_start3A_9, %dma_start3A_10] : memref<6144x1024xf32, #tpu.memory_space<hbm>> -> memref<6144x1024xf32, #tpu.memory_space<hbm>>
    tpu.enqueue_indirect_dma source(%dma_start3A_11 : memref<6144x1024xf32, #tpu.memory_space<hbm>>) target(%arg8 : memref<32x1024xf32, #tpu.memory_space<vmem>>) offsets(%arg6 : memref<32xi32, #tpu.memory_space<vmem>>) semaphore(%arg10 : memref<!tpu.dma_semaphore, #tpu.memory_space<semaphore_mem>>)
    %dma_wait3A = arith.constant 0 : i32
    %dma_wait3A_12 = arith.constant 0 : i32
    %dma_wait3A_13 = tpu.memref_slice %arg2[%dma_wait3A, %dma_wait3A_12] : memref<6144x1024xf32, #tpu.memory_space<hbm>> -> memref<6144x1024xf32, #tpu.memory_space<hbm>>
    tpu.wait_indirect_dma semaphore(%arg9 : memref<!tpu.dma_semaphore, #tpu.memory_space<semaphore_mem>>) src(%dma_wait3A_13 : memref<6144x1024xf32, #tpu.memory_space<hbm>>) dst(%arg7 : memref<32x1024xf32, #tpu.memory_space<vmem>>)
    %add3A_14 = arith.constant 0 : i32
    %add3A_15 = arith.addi %mul3A_2, %add3A_14 : i32
    "tpu.region"() ({
      %run_scoped3A = tpu.sem_alloc : memref<!tpu.dma_semaphore, #tpu.memory_space<semaphore_mem>>
      %dma_start3A_41 = arith.constant 0 : i32
      %dma_start3A_42 = tpu.memref_slice %arg4[%add3A_15, %dma_start3A_41] : memref<4096x1024xf32, #tpu.memory_space<hbm>> -> memref<32x1024xf32, #tpu.memory_space<hbm>>
      %dma_start3A_43 = arith.constant 0 : i32
      %dma_start3A_44 = tpu.memref_slice %arg4[%add3A_15, %dma_start3A_43] : memref<4096x1024xf32, #tpu.memory_space<hbm>> -> memref<32x1024xf32, #tpu.memory_space<hbm>>
      tpu.enqueue_dma source(%arg7 : memref<32x1024xf32, #tpu.memory_space<vmem>>) target(%dma_start3A_44 : memref<32x1024xf32, #tpu.memory_space<hbm>>) target_semaphore(%run_scoped3A : memref<!tpu.dma_semaphore, #tpu.memory_space<semaphore_mem>>)
      %dma_wait3A_45 = arith.constant 0 : i32
      %dma_wait3A_46 = tpu.memref_slice %arg4[%add3A_15, %dma_wait3A_45] : memref<4096x1024xf32, #tpu.memory_space<hbm>> -> memref<32x1024xf32, #tpu.memory_space<hbm>>
      %dma_wait3A_47 = arith.constant 0 : i32
      %dma_wait3A_48 = tpu.memref_slice %arg4[%add3A_15, %dma_wait3A_47] : memref<4096x1024xf32, #tpu.memory_space<hbm>> -> memref<32x1024xf32, #tpu.memory_space<hbm>>
      tpu.wait_dma2 semaphore(%run_scoped3A : memref<!tpu.dma_semaphore, #tpu.memory_space<semaphore_mem>>) src(%arg7 : memref<32x1024xf32, #tpu.memory_space<vmem>>) dst(%dma_wait3A_48 : memref<32x1024xf32, #tpu.memory_space<hbm>>)
      tpu.yield
    }) : () -> ()
    %add3A_16 = arith.constant 64 : i32
    %add3A_17 = arith.addi %mul3A_2, %add3A_16 : i32
    "tpu.region"() ({
      %run_scoped3A = tpu.sem_alloc : memref<!tpu.dma_semaphore, #tpu.memory_space<semaphore_mem>>
      %dma_start3A_41 = tpu.memref_slice %arg3[%add3A_17] : memref<4096xi32, #tpu.memory_space<hbm>> -> memref<32xi32, #tpu.memory_space<hbm>>
      %dma_start3A_42 = tpu.memref_slice %arg3[%add3A_17] : memref<4096xi32, #tpu.memory_space<hbm>> -> memref<32xi32, #tpu.memory_space<hbm>>
      tpu.enqueue_dma source(%dma_start3A_42 : memref<32xi32, #tpu.memory_space<hbm>>) target(%arg5 : memref<32xi32, #tpu.memory_space<vmem>>) target_semaphore(%run_scoped3A : memref<!tpu.dma_semaphore, #tpu.memory_space<semaphore_mem>>)
      %dma_wait3A_43 = tpu.memref_slice %arg3[%add3A_17] : memref<4096xi32, #tpu.memory_space<hbm>> -> memref<32xi32, #tpu.memory_space<hbm>>
      %dma_wait3A_44 = tpu.memref_slice %arg3[%add3A_17] : memref<4096xi32, #tpu.memory_space<hbm>> -> memref<32xi32, #tpu.memory_space<hbm>>
      tpu.wait_dma2 semaphore(%run_scoped3A : memref<!tpu.dma_semaphore, #tpu.memory_space<semaphore_mem>>) src(%dma_wait3A_44 : memref<32xi32, #tpu.memory_space<hbm>>) dst(%arg5 : memref<32xi32, #tpu.memory_space<vmem>>)
      tpu.yield
    }) : () -> ()
    %dma_start3A_18 = arith.constant 0 : i32
    %dma_start3A_19 = arith.constant 0 : i32
    %dma_start3A_20 = tpu.memref_slice %arg2[%dma_start3A_18, %dma_start3A_19] : memref<6144x1024xf32, #tpu.memory_space<hbm>> -> memref<6144x1024xf32, #tpu.memory_space<hbm>>
    tpu.enqueue_indirect_dma source(%dma_start3A_20 : memref<6144x1024xf32, #tpu.memory_space<hbm>>) target(%arg7 : memref<32x1024xf32, #tpu.memory_space<vmem>>) offsets(%arg5 : memref<32xi32, #tpu.memory_space<vmem>>) semaphore(%arg9 : memref<!tpu.dma_semaphore, #tpu.memory_space<semaphore_mem>>)
    %dma_wait3A_21 = arith.constant 0 : i32
    %dma_wait3A_22 = arith.constant 0 : i32
    %dma_wait3A_23 = tpu.memref_slice %arg2[%dma_wait3A_21, %dma_wait3A_22] : memref<6144x1024xf32, #tpu.memory_space<hbm>> -> memref<6144x1024xf32, #tpu.memory_space<hbm>>
    tpu.wait_indirect_dma semaphore(%arg10 : memref<!tpu.dma_semaphore, #tpu.memory_space<semaphore_mem>>) src(%dma_wait3A_23 : memref<6144x1024xf32, #tpu.memory_space<hbm>>) dst(%arg8 : memref<32x1024xf32, #tpu.memory_space<vmem>>)
    %add3A_24 = arith.constant 32 : i32
    %add3A_25 = arith.addi %mul3A_2, %add3A_24 : i32
    "tpu.region"() ({
      %run_scoped3A = tpu.sem_alloc : memref<!tpu.dma_semaphore, #tpu.memory_space<semaphore_mem>>
      %dma_start3A_41 = arith.constant 0 : i32
      %dma_start3A_42 = tpu.memref_slice %arg4[%add3A_25, %dma_start3A_41] : memref<4096x1024xf32, #tpu.memory_space<hbm>> -> memref<32x1024xf32, #tpu.memory_space<hbm>>
      %dma_start3A_43 = arith.constant 0 : i32
      %dma_start3A_44 = tpu.memref_slice %arg4[%add3A_25, %dma_start3A_43] : memref<4096x1024xf32, #tpu.memory_space<hbm>> -> memref<32x1024xf32, #tpu.memory_space<hbm>>
      tpu.enqueue_dma source(%arg8 : memref<32x1024xf32, #tpu.memory_space<vmem>>) target(%dma_start3A_44 : memref<32x1024xf32, #tpu.memory_space<hbm>>) target_semaphore(%run_scoped3A : memref<!tpu.dma_semaphore, #tpu.memory_space<semaphore_mem>>)
      %dma_wait3A_45 = arith.constant 0 : i32
      %dma_wait3A_46 = tpu.memref_slice %arg4[%add3A_25, %dma_wait3A_45] : memref<4096x1024xf32, #tpu.memory_space<hbm>> -> memref<32x1024xf32, #tpu.memory_space<hbm>>
      %dma_wait3A_47 = arith.constant 0 : i32
      %dma_wait3A_48 = tpu.memref_slice %arg4[%add3A_25, %dma_wait3A_47] : memref<4096x1024xf32, #tpu.memory_space<hbm>> -> memref<32x1024xf32, #tpu.memory_space<hbm>>
      tpu.wait_dma2 semaphore(%run_scoped3A : memref<!tpu.dma_semaphore, #tpu.memory_space<semaphore_mem>>) src(%arg8 : memref<32x1024xf32, #tpu.memory_space<vmem>>) dst(%dma_wait3A_48 : memref<32x1024xf32, #tpu.memory_space<hbm>>)
      tpu.yield
    }) : () -> ()
    %add3A_26 = arith.constant 96 : i32
    %add3A_27 = arith.addi %mul3A_2, %add3A_26 : i32
    "tpu.region"() ({
      %run_scoped3A = tpu.sem_alloc : memref<!tpu.dma_semaphore, #tpu.memory_space<semaphore_mem>>
      %dma_start3A_41 = tpu.memref_slice %arg3[%add3A_27] : memref<4096xi32, #tpu.memory_space<hbm>> -> memref<32xi32, #tpu.memory_space<hbm>>
      %dma_start3A_42 = tpu.memref_slice %arg3[%add3A_27] : memref<4096xi32, #tpu.memory_space<hbm>> -> memref<32xi32, #tpu.memory_space<hbm>>
      tpu.enqueue_dma source(%dma_start3A_42 : memref<32xi32, #tpu.memory_space<hbm>>) target(%arg6 : memref<32xi32, #tpu.memory_space<vmem>>) target_semaphore(%run_scoped3A : memref<!tpu.dma_semaphore, #tpu.memory_space<semaphore_mem>>)
      %dma_wait3A_43 = tpu.memref_slice %arg3[%add3A_27] : memref<4096xi32, #tpu.memory_space<hbm>> -> memref<32xi32, #tpu.memory_space<hbm>>
      %dma_wait3A_44 = tpu.memref_slice %arg3[%add3A_27] : memref<4096xi32, #tpu.memory_space<hbm>> -> memref<32xi32, #tpu.memory_space<hbm>>
      tpu.wait_dma2 semaphore(%run_scoped3A : memref<!tpu.dma_semaphore, #tpu.memory_space<semaphore_mem>>) src(%dma_wait3A_44 : memref<32xi32, #tpu.memory_space<hbm>>) dst(%arg6 : memref<32xi32, #tpu.memory_space<vmem>>)
      tpu.yield
    }) : () -> ()
    %dma_start3A_28 = arith.constant 0 : i32
    %dma_start3A_29 = arith.constant 0 : i32
    %dma_start3A_30 = tpu.memref_slice %arg2[%dma_start3A_28, %dma_start3A_29] : memref<6144x1024xf32, #tpu.memory_space<hbm>> -> memref<6144x1024xf32, #tpu.memory_space<hbm>>
    tpu.enqueue_indirect_dma source(%dma_start3A_30 : memref<6144x1024xf32, #tpu.memory_space<hbm>>) target(%arg8 : memref<32x1024xf32, #tpu.memory_space<vmem>>) offsets(%arg6 : memref<32xi32, #tpu.memory_space<vmem>>) semaphore(%arg10 : memref<!tpu.dma_semaphore, #tpu.memory_space<semaphore_mem>>)
    %dma_wait3A_31 = arith.constant 0 : i32
    %dma_wait3A_32 = arith.constant 0 : i32
    %dma_wait3A_33 = tpu.memref_slice %arg2[%dma_wait3A_31, %dma_wait3A_32] : memref<6144x1024xf32, #tpu.memory_space<hbm>> -> memref<6144x1024xf32, #tpu.memory_space<hbm>>
    tpu.wait_indirect_dma semaphore(%arg9 : memref<!tpu.dma_semaphore, #tpu.memory_space<semaphore_mem>>) src(%dma_wait3A_33 : memref<6144x1024xf32, #tpu.memory_space<hbm>>) dst(%arg7 : memref<32x1024xf32, #tpu.memory_space<vmem>>)
    %add3A_34 = arith.constant 64 : i32
    %add3A_35 = arith.addi %mul3A_2, %add3A_34 : i32
    "tpu.region"() ({
      %run_scoped3A = tpu.sem_alloc : memref<!tpu.dma_semaphore, #tpu.memory_space<semaphore_mem>>
      %dma_start3A_41 = arith.constant 0 : i32
      %dma_start3A_42 = tpu.memref_slice %arg4[%add3A_35, %dma_start3A_41] : memref<4096x1024xf32, #tpu.memory_space<hbm>> -> memref<32x1024xf32, #tpu.memory_space<hbm>>
      %dma_start3A_43 = arith.constant 0 : i32
      %dma_start3A_44 = tpu.memref_slice %arg4[%add3A_35, %dma_start3A_43] : memref<4096x1024xf32, #tpu.memory_space<hbm>> -> memref<32x1024xf32, #tpu.memory_space<hbm>>
      tpu.enqueue_dma source(%arg7 : memref<32x1024xf32, #tpu.memory_space<vmem>>) target(%dma_start3A_44 : memref<32x1024xf32, #tpu.memory_space<hbm>>) target_semaphore(%run_scoped3A : memref<!tpu.dma_semaphore, #tpu.memory_space<semaphore_mem>>)
      %dma_wait3A_45 = arith.constant 0 : i32
      %dma_wait3A_46 = tpu.memref_slice %arg4[%add3A_35, %dma_wait3A_45] : memref<4096x1024xf32, #tpu.memory_space<hbm>> -> memref<32x1024xf32, #tpu.memory_space<hbm>>
      %dma_wait3A_47 = arith.constant 0 : i32
      %dma_wait3A_48 = tpu.memref_slice %arg4[%add3A_35, %dma_wait3A_47] : memref<4096x1024xf32, #tpu.memory_space<hbm>> -> memref<32x1024xf32, #tpu.memory_space<hbm>>
      tpu.wait_dma2 semaphore(%run_scoped3A : memref<!tpu.dma_semaphore, #tpu.memory_space<semaphore_mem>>) src(%arg7 : memref<32x1024xf32, #tpu.memory_space<vmem>>) dst(%dma_wait3A_48 : memref<32x1024xf32, #tpu.memory_space<hbm>>)
      tpu.yield
    }) : () -> ()
    %dma_wait3A_36 = arith.constant 0 : i32
    %dma_wait3A_37 = arith.constant 0 : i32
    %dma_wait3A_38 = tpu.memref_slice %arg2[%dma_wait3A_36, %dma_wait3A_37] : memref<6144x1024xf32, #tpu.memory_space<hbm>> -> memref<6144x1024xf32, #tpu.memory_space<hbm>>
    tpu.wait_indirect_dma semaphore(%arg10 : memref<!tpu.dma_semaphore, #tpu.memory_space<semaphore_mem>>) src(%dma_wait3A_38 : memref<6144x1024xf32, #tpu.memory_space<hbm>>) dst(%arg8 : memref<32x1024xf32, #tpu.memory_space<vmem>>)
    %add3A_39 = arith.constant 96 : i32
    %add3A_40 = arith.addi %mul3A_2, %add3A_39 : i32
    "tpu.region"() ({
      %run_scoped3A = tpu.sem_alloc : memref<!tpu.dma_semaphore, #tpu.memory_space<semaphore_mem>>
      %dma_start3A_41 = arith.constant 0 : i32
      %dma_start3A_42 = tpu.memref_slice %arg4[%add3A_40, %dma_start3A_41] : memref<4096x1024xf32, #tpu.memory_space<hbm>> -> memref<32x1024xf32, #tpu.memory_space<hbm>>
      %dma_start3A_43 = arith.constant 0 : i32
      %dma_start3A_44 = tpu.memref_slice %arg4[%add3A_40, %dma_start3A_43] : memref<4096x1024xf32, #tpu.memory_space<hbm>> -> memref<32x1024xf32, #tpu.memory_space<hbm>>
      tpu.enqueue_dma source(%arg8 : memref<32x1024xf32, #tpu.memory_space<vmem>>) target(%dma_start3A_44 : memref<32x1024xf32, #tpu.memory_space<hbm>>) target_semaphore(%run_scoped3A : memref<!tpu.dma_semaphore, #tpu.memory_space<semaphore_mem>>)
      %dma_wait3A_45 = arith.constant 0 : i32
      %dma_wait3A_46 = tpu.memref_slice %arg4[%add3A_40, %dma_wait3A_45] : memref<4096x1024xf32, #tpu.memory_space<hbm>> -> memref<32x1024xf32, #tpu.memory_space<hbm>>
      %dma_wait3A_47 = arith.constant 0 : i32
      %dma_wait3A_48 = tpu.memref_slice %arg4[%add3A_40, %dma_wait3A_47] : memref<4096x1024xf32, #tpu.memory_space<hbm>> -> memref<32x1024xf32, #tpu.memory_space<hbm>>
      tpu.wait_dma2 semaphore(%run_scoped3A : memref<!tpu.dma_semaphore, #tpu.memory_space<semaphore_mem>>) src(%arg8 : memref<32x1024xf32, #tpu.memory_space<vmem>>) dst(%dma_wait3A_48 : memref<32x1024xf32, #tpu.memory_space<hbm>>)
      tpu.yield
    }) : () -> ()
    return
  }
}

#map = affine_map<(d0, d1) -> (0, 0)>
#map1 = affine_map<(d0, d1) -> (0)>
module attributes {stable_mosaic.version = 14 : i64} {
  func.func @k(%arg0: i32, %arg1: i32, %arg2: memref<2048x1024xf32, #tpu.memory_space<hbm>>, %arg3: memref<4096xi32, #tpu.memory_space<hbm>>, %arg4: memref<4096xi32, #tpu.memory_space<hbm>>, %arg5: memref<4096xf32, #tpu.memory_space<hbm>>, %arg6: memref<6144xi32, #tpu.memory_space<hbm>>, %arg7: memref<6144x1024xf32, #tpu.memory_space<hbm>>, %arg8: memref<6144xf32, #tpu.memory_space<hbm>>, %arg9: memref<4096xi32, #tpu.memory_space<vmem>>, %arg10: memref<4096xi32, #tpu.memory_space<vmem>>, %arg11: memref<4096xf32, #tpu.memory_space<vmem>>, %arg12: memref<192xi32, #tpu.memory_space<vmem>>, %arg13: memref<192xf32, #tpu.memory_space<vmem>>, %arg14: memref<48x1024xf32, #tpu.memory_space<vmem>>, %arg15: memref<48x1024xf32, #tpu.memory_space<vmem>>, %arg16: memref<!tpu.dma_semaphore, #tpu.memory_space<semaphore_mem>>, %arg17: memref<!tpu.dma_semaphore, #tpu.memory_space<semaphore_mem>>) attributes {dimension_semantics = [#tpu.dimension_semantics<core_parallel>, #tpu.dimension_semantics<subcore_parallel>], iteration_bounds = array<i64: 2, 16>, scalar_prefetch = 0 : i64, scratch_operands = 9 : i64, tpu.core_type = #tpu.core_type<sc_vector_subcore>, window_params = [{transform_indices = #map}, {transform_indices = #map1}, {transform_indices = #map1}, {transform_indices = #map1}, {transform_indices = #map1}, {transform_indices = #map}, {transform_indices = #map1}]} {
    %mul3A = arith.constant 2 : i32
    %mul3A_0 = arith.muli %arg1, %mul3A : i32
    %add3A = arith.addi %mul3A_0, %arg0 : i32
    %mul3A_1 = arith.constant 192 : i32
    %mul3A_2 = arith.muli %add3A, %mul3A_1 : i32
    "tpu.region"() ({
      %run_scoped3A = tpu.sem_alloc : memref<!tpu.dma_semaphore, #tpu.memory_space<semaphore_mem>>
      %dma_start3A_58 = tpu.memref_slice %arg6[%mul3A_2] : memref<6144xi32, #tpu.memory_space<hbm>> -> memref<192xi32, #tpu.memory_space<hbm>>
      %dma_start3A_59 = tpu.memref_slice %arg6[%mul3A_2] : memref<6144xi32, #tpu.memory_space<hbm>> -> memref<192xi32, #tpu.memory_space<hbm>>
      tpu.enqueue_dma source(%dma_start3A_59 : memref<192xi32, #tpu.memory_space<hbm>>) target(%arg12 : memref<192xi32, #tpu.memory_space<vmem>>) target_semaphore(%run_scoped3A : memref<!tpu.dma_semaphore, #tpu.memory_space<semaphore_mem>>)
      %dma_wait3A_60 = tpu.memref_slice %arg6[%mul3A_2] : memref<6144xi32, #tpu.memory_space<hbm>> -> memref<192xi32, #tpu.memory_space<hbm>>
      %dma_wait3A_61 = tpu.memref_slice %arg6[%mul3A_2] : memref<6144xi32, #tpu.memory_space<hbm>> -> memref<192xi32, #tpu.memory_space<hbm>>
      tpu.wait_dma2 semaphore(%run_scoped3A : memref<!tpu.dma_semaphore, #tpu.memory_space<semaphore_mem>>) src(%dma_wait3A_61 : memref<192xi32, #tpu.memory_space<hbm>>) dst(%arg12 : memref<192xi32, #tpu.memory_space<vmem>>)
      tpu.yield
    }) : () -> ()
    "tpu.region"() ({
      %run_scoped3A = tpu.sem_alloc : memref<!tpu.dma_semaphore, #tpu.memory_space<semaphore_mem>>
      tpu.enqueue_dma source(%arg3 : memref<4096xi32, #tpu.memory_space<hbm>>) target(%arg9 : memref<4096xi32, #tpu.memory_space<vmem>>) target_semaphore(%run_scoped3A : memref<!tpu.dma_semaphore, #tpu.memory_space<semaphore_mem>>)
      tpu.wait_dma2 semaphore(%run_scoped3A : memref<!tpu.dma_semaphore, #tpu.memory_space<semaphore_mem>>) src(%arg3 : memref<4096xi32, #tpu.memory_space<hbm>>) dst(%arg9 : memref<4096xi32, #tpu.memory_space<vmem>>)
      tpu.yield
    }) : () -> ()
    "tpu.region"() ({
      %run_scoped3A = tpu.sem_alloc : memref<!tpu.dma_semaphore, #tpu.memory_space<semaphore_mem>>
      tpu.enqueue_dma source(%arg4 : memref<4096xi32, #tpu.memory_space<hbm>>) target(%arg10 : memref<4096xi32, #tpu.memory_space<vmem>>) target_semaphore(%run_scoped3A : memref<!tpu.dma_semaphore, #tpu.memory_space<semaphore_mem>>)
      tpu.wait_dma2 semaphore(%run_scoped3A : memref<!tpu.dma_semaphore, #tpu.memory_space<semaphore_mem>>) src(%arg4 : memref<4096xi32, #tpu.memory_space<hbm>>) dst(%arg10 : memref<4096xi32, #tpu.memory_space<vmem>>)
      tpu.yield
    }) : () -> ()
    "tpu.region"() ({
      %run_scoped3A = tpu.sem_alloc : memref<!tpu.dma_semaphore, #tpu.memory_space<semaphore_mem>>
      tpu.enqueue_dma source(%arg5 : memref<4096xf32, #tpu.memory_space<hbm>>) target(%arg11 : memref<4096xf32, #tpu.memory_space<vmem>>) target_semaphore(%run_scoped3A : memref<!tpu.dma_semaphore, #tpu.memory_space<semaphore_mem>>)
      tpu.wait_dma2 semaphore(%run_scoped3A : memref<!tpu.dma_semaphore, #tpu.memory_space<semaphore_mem>>) src(%arg5 : memref<4096xf32, #tpu.memory_space<hbm>>) dst(%arg11 : memref<4096xf32, #tpu.memory_space<vmem>>)
      tpu.yield
    }) : () -> ()
    %scan3A = arith.constant 0 : i32
    %scan3A_3 = arith.constant 12 : i32
    %scan3A_4 = arith.addi %scan3A, %scan3A_3 : i32
    %scan3A_5 = arith.constant 1 : i32
    scf.for %scan3A_58 = %scan3A to %scan3A_4 step %scan3A_5  : i32 {
      %mul3A_59 = arith.constant 16 : i32
      %mul3A_60 = arith.muli %scan3A_58, %mul3A_59 : i32
      %add3A_61 = arith.constant 0 : i32
      %add3A_62 = arith.addi %add3A_61, %mul3A_60 : i32
      %broadcast_in_dim3A = arith.constant 0.000000e+00 : f32
      %broadcast_in_dim3A_63 = vector.broadcast %broadcast_in_dim3A : f32 to vector<16xf32>
      %swap3A = arith.index_cast %add3A_62 : i32 to index
      %swap3A_64 = tpu.vector_load %arg13[%swap3A] {strides = array<i32>} : memref<192xf32, #tpu.memory_space<vmem>>, vector<16xf32>,
      tpu.vector_store %arg13[%swap3A], %broadcast_in_dim3A_63 {strides = array<i32>} : memref<192xf32, #tpu.memory_space<vmem>>, vector<16xf32>,
    }
    %scan3A_6 = arith.constant 12 : i32
    %scan3A_7 = arith.constant 0 : i32
    %scan3A_8 = arith.constant 256 : i32
    %scan3A_9 = arith.addi %scan3A_7, %scan3A_8 : i32
    %scan3A_10 = arith.constant 1 : i32
    scf.for %scan3A_58 = %scan3A_7 to %scan3A_9 step %scan3A_10  : i32 {
      %mul3A_59 = arith.constant 16 : i32
      %mul3A_60 = arith.muli %scan3A_58, %mul3A_59 : i32
      %add3A_61 = arith.constant 0 : i32
      %add3A_62 = arith.addi %add3A_61, %mul3A_60 : i32
      %get3A = arith.index_cast %add3A_62 : i32 to index
      %get3A_63 = tpu.vector_load %arg9[%get3A] {strides = array<i32>} : memref<4096xi32, #tpu.memory_space<vmem>>, vector<16xi32>,
      %sub3A = vector.broadcast %mul3A_2 : i32 to vector<16xi32>
      %sub3A_64 = arith.subi %get3A_63, %sub3A : vector<16xi32>
      %ge3A = arith.constant 0 : i32
      %ge3A_65 = vector.broadcast %ge3A : i32 to vector<16xi32>
      %ge3A_66 = arith.cmpi sge, %sub3A_64, %ge3A_65 : vector<16xi32>
      %lt3A = arith.constant 192 : i32
      %lt3A_67 = vector.broadcast %lt3A : i32 to vector<16xi32>
      %lt3A_68 = arith.cmpi slt, %sub3A_64, %lt3A_67 : vector<16xi32>
      %and3A = arith.andi %ge3A_66, %lt3A_68 : vector<16xi1>
      %get3A_69 = arith.index_cast %add3A_62 : i32 to index
      %get3A_70 = tpu.vector_load %arg10[%get3A_69] {strides = array<i32>} : memref<4096xi32, #tpu.memory_space<vmem>>, vector<16xi32>,
      tpu.vector_store_idx %arg12[%sub3A_64], %get3A_70 masked %and3A : memref<192xi32, #tpu.memory_space<vmem>>[vector<16xi32>], vector<16xi32>, vector<16xi1>
      %get3A_71 = arith.index_cast %add3A_62 : i32 to index
      %get3A_72 = tpu.vector_load %arg11[%get3A_71] {strides = array<i32>} : memref<4096xf32, #tpu.memory_space<vmem>>, vector<16xf32>,
      tpu.vector_store_idx %arg13[%sub3A_64], %get3A_72 masked %and3A : memref<192xf32, #tpu.memory_space<vmem>>[vector<16xi32>], vector<16xf32>, vector<16xi1>
    }
    %scan3A_11 = arith.constant 256 : i32
    "tpu.region"() ({
      %run_scoped3A = tpu.sem_alloc : memref<!tpu.dma_semaphore, #tpu.memory_space<semaphore_mem>>
      %dma_start3A_58 = tpu.memref_slice %arg8[%mul3A_2] : memref<6144xf32, #tpu.memory_space<hbm>> -> memref<192xf32, #tpu.memory_space<hbm>>
      %dma_start3A_59 = tpu.memref_slice %arg8[%mul3A_2] : memref<6144xf32, #tpu.memory_space<hbm>> -> memref<192xf32, #tpu.memory_space<hbm>>
      tpu.enqueue_dma source(%arg13 : memref<192xf32, #tpu.memory_space<vmem>>) target(%dma_start3A_59 : memref<192xf32, #tpu.memory_space<hbm>>) target_semaphore(%run_scoped3A : memref<!tpu.dma_semaphore, #tpu.memory_space<semaphore_mem>>)
      %dma_wait3A_60 = tpu.memref_slice %arg8[%mul3A_2] : memref<6144xf32, #tpu.memory_space<hbm>> -> memref<192xf32, #tpu.memory_space<hbm>>
      %dma_wait3A_61 = tpu.memref_slice %arg8[%mul3A_2] : memref<6144xf32, #tpu.memory_space<hbm>> -> memref<192xf32, #tpu.memory_space<hbm>>
      tpu.wait_dma2 semaphore(%run_scoped3A : memref<!tpu.dma_semaphore, #tpu.memory_space<semaphore_mem>>) src(%arg13 : memref<192xf32, #tpu.memory_space<vmem>>) dst(%dma_wait3A_61 : memref<192xf32, #tpu.memory_space<hbm>>)
      tpu.yield
    }) : () -> ()
    %dma_start3A = arith.constant 0 : i32
    %dma_start3A_12 = tpu.memref_slice %arg12[%dma_start3A] : memref<192xi32, #tpu.memory_space<vmem>> -> memref<48xi32, #tpu.memory_space<vmem>>
    %dma_start3A_13 = arith.constant 0 : i32
    %dma_start3A_14 = arith.constant 0 : i32
    %dma_start3A_15 = tpu.memref_slice %arg2[%dma_start3A_13, %dma_start3A_14] : memref<2048x1024xf32, #tpu.memory_space<hbm>> -> memref<2048x1024xf32, #tpu.memory_space<hbm>>
    tpu.enqueue_indirect_dma source(%dma_start3A_15 : memref<2048x1024xf32, #tpu.memory_space<hbm>>) target(%arg14 : memref<48x1024xf32, #tpu.memory_space<vmem>>) offsets(%dma_start3A_12 : memref<48xi32, #tpu.memory_space<vmem>>) semaphore(%arg16 : memref<!tpu.dma_semaphore, #tpu.memory_space<semaphore_mem>>)
    %dma_start3A_16 = arith.constant 48 : i32
    %dma_start3A_17 = tpu.memref_slice %arg12[%dma_start3A_16] : memref<192xi32, #tpu.memory_space<vmem>> -> memref<48xi32, #tpu.memory_space<vmem>>
    %dma_start3A_18 = arith.constant 0 : i32
    %dma_start3A_19 = arith.constant 0 : i32
    %dma_start3A_20 = tpu.memref_slice %arg2[%dma_start3A_18, %dma_start3A_19] : memref<2048x1024xf32, #tpu.memory_space<hbm>> -> memref<2048x1024xf32, #tpu.memory_space<hbm>>
    tpu.enqueue_indirect_dma source(%dma_start3A_20 : memref<2048x1024xf32, #tpu.memory_space<hbm>>) target(%arg15 : memref<48x1024xf32, #tpu.memory_space<vmem>>) offsets(%dma_start3A_17 : memref<48xi32, #tpu.memory_space<vmem>>) semaphore(%arg17 : memref<!tpu.dma_semaphore, #tpu.memory_space<semaphore_mem>>)
    %dma_wait3A = arith.constant 0 : i32
    %dma_wait3A_21 = tpu.memref_slice %arg12[%dma_wait3A] : memref<192xi32, #tpu.memory_space<vmem>> -> memref<48xi32, #tpu.memory_space<vmem>>
    %dma_wait3A_22 = arith.constant 0 : i32
    %dma_wait3A_23 = arith.constant 0 : i32
    %dma_wait3A_24 = tpu.memref_slice %arg2[%dma_wait3A_22, %dma_wait3A_23] : memref<2048x1024xf32, #tpu.memory_space<hbm>> -> memref<2048x1024xf32, #tpu.memory_space<hbm>>
    tpu.wait_indirect_dma semaphore(%arg16 : memref<!tpu.dma_semaphore, #tpu.memory_space<semaphore_mem>>) src(%dma_wait3A_24 : memref<2048x1024xf32, #tpu.memory_space<hbm>>) dst(%arg14 : memref<48x1024xf32, #tpu.memory_space<vmem>>)
    %add3A_25 = arith.constant 0 : i32
    %add3A_26 = arith.addi %mul3A_2, %add3A_25 : i32
    "tpu.region"() ({
      %run_scoped3A = tpu.sem_alloc : memref<!tpu.dma_semaphore, #tpu.memory_space<semaphore_mem>>
      %dma_start3A_58 = arith.constant 0 : i32
      %dma_start3A_59 = tpu.memref_slice %arg7[%add3A_26, %dma_start3A_58] : memref<6144x1024xf32, #tpu.memory_space<hbm>> -> memref<48x1024xf32, #tpu.memory_space<hbm>>
      %dma_start3A_60 = arith.constant 0 : i32
      %dma_start3A_61 = tpu.memref_slice %arg7[%add3A_26, %dma_start3A_60] : memref<6144x1024xf32, #tpu.memory_space<hbm>> -> memref<48x1024xf32, #tpu.memory_space<hbm>>
      tpu.enqueue_dma source(%arg14 : memref<48x1024xf32, #tpu.memory_space<vmem>>) target(%dma_start3A_61 : memref<48x1024xf32, #tpu.memory_space<hbm>>) target_semaphore(%run_scoped3A : memref<!tpu.dma_semaphore, #tpu.memory_space<semaphore_mem>>)
      %dma_wait3A_62 = arith.constant 0 : i32
      %dma_wait3A_63 = tpu.memref_slice %arg7[%add3A_26, %dma_wait3A_62] : memref<6144x1024xf32, #tpu.memory_space<hbm>> -> memref<48x1024xf32, #tpu.memory_space<hbm>>
      %dma_wait3A_64 = arith.constant 0 : i32
      %dma_wait3A_65 = tpu.memref_slice %arg7[%add3A_26, %dma_wait3A_64] : memref<6144x1024xf32, #tpu.memory_space<hbm>> -> memref<48x1024xf32, #tpu.memory_space<hbm>>
      tpu.wait_dma2 semaphore(%run_scoped3A : memref<!tpu.dma_semaphore, #tpu.memory_space<semaphore_mem>>) src(%arg14 : memref<48x1024xf32, #tpu.memory_space<vmem>>) dst(%dma_wait3A_65 : memref<48x1024xf32, #tpu.memory_space<hbm>>)
      tpu.yield
    }) : () -> ()
    %dma_start3A_27 = arith.constant 96 : i32
    %dma_start3A_28 = tpu.memref_slice %arg12[%dma_start3A_27] : memref<192xi32, #tpu.memory_space<vmem>> -> memref<48xi32, #tpu.memory_space<vmem>>
    %dma_start3A_29 = arith.constant 0 : i32
    %dma_start3A_30 = arith.constant 0 : i32
    %dma_start3A_31 = tpu.memref_slice %arg2[%dma_start3A_29, %dma_start3A_30] : memref<2048x1024xf32, #tpu.memory_space<hbm>> -> memref<2048x1024xf32, #tpu.memory_space<hbm>>
    tpu.enqueue_indirect_dma source(%dma_start3A_31 : memref<2048x1024xf32, #tpu.memory_space<hbm>>) target(%arg14 : memref<48x1024xf32, #tpu.memory_space<vmem>>) offsets(%dma_start3A_28 : memref<48xi32, #tpu.memory_space<vmem>>) semaphore(%arg16 : memref<!tpu.dma_semaphore, #tpu.memory_space<semaphore_mem>>)
    %dma_wait3A_32 = arith.constant 48 : i32
    %dma_wait3A_33 = tpu.memref_slice %arg12[%dma_wait3A_32] : memref<192xi32, #tpu.memory_space<vmem>> -> memref<48xi32, #tpu.memory_space<vmem>>
    %dma_wait3A_34 = arith.constant 0 : i32
    %dma_wait3A_35 = arith.constant 0 : i32
    %dma_wait3A_36 = tpu.memref_slice %arg2[%dma_wait3A_34, %dma_wait3A_35] : memref<2048x1024xf32, #tpu.memory_space<hbm>> -> memref<2048x1024xf32, #tpu.memory_space<hbm>>
    tpu.wait_indirect_dma semaphore(%arg17 : memref<!tpu.dma_semaphore, #tpu.memory_space<semaphore_mem>>) src(%dma_wait3A_36 : memref<2048x1024xf32, #tpu.memory_space<hbm>>) dst(%arg15 : memref<48x1024xf32, #tpu.memory_space<vmem>>)
    %add3A_37 = arith.constant 48 : i32
    %add3A_38 = arith.addi %mul3A_2, %add3A_37 : i32
    "tpu.region"() ({
      %run_scoped3A = tpu.sem_alloc : memref<!tpu.dma_semaphore, #tpu.memory_space<semaphore_mem>>
      %dma_start3A_58 = arith.constant 0 : i32
      %dma_start3A_59 = tpu.memref_slice %arg7[%add3A_38, %dma_start3A_58] : memref<6144x1024xf32, #tpu.memory_space<hbm>> -> memref<48x1024xf32, #tpu.memory_space<hbm>>
      %dma_start3A_60 = arith.constant 0 : i32
      %dma_start3A_61 = tpu.memref_slice %arg7[%add3A_38, %dma_start3A_60] : memref<6144x1024xf32, #tpu.memory_space<hbm>> -> memref<48x1024xf32, #tpu.memory_space<hbm>>
      tpu.enqueue_dma source(%arg15 : memref<48x1024xf32, #tpu.memory_space<vmem>>) target(%dma_start3A_61 : memref<48x1024xf32, #tpu.memory_space<hbm>>) target_semaphore(%run_scoped3A : memref<!tpu.dma_semaphore, #tpu.memory_space<semaphore_mem>>)
      %dma_wait3A_62 = arith.constant 0 : i32
      %dma_wait3A_63 = tpu.memref_slice %arg7[%add3A_38, %dma_wait3A_62] : memref<6144x1024xf32, #tpu.memory_space<hbm>> -> memref<48x1024xf32, #tpu.memory_space<hbm>>
      %dma_wait3A_64 = arith.constant 0 : i32
      %dma_wait3A_65 = tpu.memref_slice %arg7[%add3A_38, %dma_wait3A_64] : memref<6144x1024xf32, #tpu.memory_space<hbm>> -> memref<48x1024xf32, #tpu.memory_space<hbm>>
      tpu.wait_dma2 semaphore(%run_scoped3A : memref<!tpu.dma_semaphore, #tpu.memory_space<semaphore_mem>>) src(%arg15 : memref<48x1024xf32, #tpu.memory_space<vmem>>) dst(%dma_wait3A_65 : memref<48x1024xf32, #tpu.memory_space<hbm>>)
      tpu.yield
    }) : () -> ()
    %dma_start3A_39 = arith.constant 144 : i32
    %dma_start3A_40 = tpu.memref_slice %arg12[%dma_start3A_39] : memref<192xi32, #tpu.memory_space<vmem>> -> memref<48xi32, #tpu.memory_space<vmem>>
    %dma_start3A_41 = arith.constant 0 : i32
    %dma_start3A_42 = arith.constant 0 : i32
    %dma_start3A_43 = tpu.memref_slice %arg2[%dma_start3A_41, %dma_start3A_42] : memref<2048x1024xf32, #tpu.memory_space<hbm>> -> memref<2048x1024xf32, #tpu.memory_space<hbm>>
    tpu.enqueue_indirect_dma source(%dma_start3A_43 : memref<2048x1024xf32, #tpu.memory_space<hbm>>) target(%arg15 : memref<48x1024xf32, #tpu.memory_space<vmem>>) offsets(%dma_start3A_40 : memref<48xi32, #tpu.memory_space<vmem>>) semaphore(%arg17 : memref<!tpu.dma_semaphore, #tpu.memory_space<semaphore_mem>>)
    %dma_wait3A_44 = arith.constant 96 : i32
    %dma_wait3A_45 = tpu.memref_slice %arg12[%dma_wait3A_44] : memref<192xi32, #tpu.memory_space<vmem>> -> memref<48xi32, #tpu.memory_space<vmem>>
    %dma_wait3A_46 = arith.constant 0 : i32
    %dma_wait3A_47 = arith.constant 0 : i32
    %dma_wait3A_48 = tpu.memref_slice %arg2[%dma_wait3A_46, %dma_wait3A_47] : memref<2048x1024xf32, #tpu.memory_space<hbm>> -> memref<2048x1024xf32, #tpu.memory_space<hbm>>
    tpu.wait_indirect_dma semaphore(%arg16 : memref<!tpu.dma_semaphore, #tpu.memory_space<semaphore_mem>>) src(%dma_wait3A_48 : memref<2048x1024xf32, #tpu.memory_space<hbm>>) dst(%arg14 : memref<48x1024xf32, #tpu.memory_space<vmem>>)
    %add3A_49 = arith.constant 96 : i32
    %add3A_50 = arith.addi %mul3A_2, %add3A_49 : i32
    "tpu.region"() ({
      %run_scoped3A = tpu.sem_alloc : memref<!tpu.dma_semaphore, #tpu.memory_space<semaphore_mem>>
      %dma_start3A_58 = arith.constant 0 : i32
      %dma_start3A_59 = tpu.memref_slice %arg7[%add3A_50, %dma_start3A_58] : memref<6144x1024xf32, #tpu.memory_space<hbm>> -> memref<48x1024xf32, #tpu.memory_space<hbm>>
      %dma_start3A_60 = arith.constant 0 : i32
      %dma_start3A_61 = tpu.memref_slice %arg7[%add3A_50, %dma_start3A_60] : memref<6144x1024xf32, #tpu.memory_space<hbm>> -> memref<48x1024xf32, #tpu.memory_space<hbm>>
      tpu.enqueue_dma source(%arg14 : memref<48x1024xf32, #tpu.memory_space<vmem>>) target(%dma_start3A_61 : memref<48x1024xf32, #tpu.memory_space<hbm>>) target_semaphore(%run_scoped3A : memref<!tpu.dma_semaphore, #tpu.memory_space<semaphore_mem>>)
      %dma_wait3A_62 = arith.constant 0 : i32
      %dma_wait3A_63 = tpu.memref_slice %arg7[%add3A_50, %dma_wait3A_62] : memref<6144x1024xf32, #tpu.memory_space<hbm>> -> memref<48x1024xf32, #tpu.memory_space<hbm>>
      %dma_wait3A_64 = arith.constant 0 : i32
      %dma_wait3A_65 = tpu.memref_slice %arg7[%add3A_50, %dma_wait3A_64] : memref<6144x1024xf32, #tpu.memory_space<hbm>> -> memref<48x1024xf32, #tpu.memory_space<hbm>>
      tpu.wait_dma2 semaphore(%run_scoped3A : memref<!tpu.dma_semaphore, #tpu.memory_space<semaphore_mem>>) src(%arg14 : memref<48x1024xf32, #tpu.memory_space<vmem>>) dst(%dma_wait3A_65 : memref<48x1024xf32, #tpu.memory_space<hbm>>)
      tpu.yield
    }) : () -> ()
    %dma_wait3A_51 = arith.constant 144 : i32
    %dma_wait3A_52 = tpu.memref_slice %arg12[%dma_wait3A_51] : memref<192xi32, #tpu.memory_space<vmem>> -> memref<48xi32, #tpu.memory_space<vmem>>
    %dma_wait3A_53 = arith.constant 0 : i32
    %dma_wait3A_54 = arith.constant 0 : i32
    %dma_wait3A_55 = tpu.memref_slice %arg2[%dma_wait3A_53, %dma_wait3A_54] : memref<2048x1024xf32, #tpu.memory_space<hbm>> -> memref<2048x1024xf32, #tpu.memory_space<hbm>>
    tpu.wait_indirect_dma semaphore(%arg17 : memref<!tpu.dma_semaphore, #tpu.memory_space<semaphore_mem>>) src(%dma_wait3A_55 : memref<2048x1024xf32, #tpu.memory_space<hbm>>) dst(%arg15 : memref<48x1024xf32, #tpu.memory_space<vmem>>)
    %add3A_56 = arith.constant 144 : i32
    %add3A_57 = arith.addi %mul3A_2, %add3A_56 : i32
    "tpu.region"() ({
      %run_scoped3A = tpu.sem_alloc : memref<!tpu.dma_semaphore, #tpu.memory_space<semaphore_mem>>
      %dma_start3A_58 = arith.constant 0 : i32
      %dma_start3A_59 = tpu.memref_slice %arg7[%add3A_57, %dma_start3A_58] : memref<6144x1024xf32, #tpu.memory_space<hbm>> -> memref<48x1024xf32, #tpu.memory_space<hbm>>
      %dma_start3A_60 = arith.constant 0 : i32
      %dma_start3A_61 = tpu.memref_slice %arg7[%add3A_57, %dma_start3A_60] : memref<6144x1024xf32, #tpu.memory_space<hbm>> -> memref<48x1024xf32, #tpu.memory_space<hbm>>
      tpu.enqueue_dma source(%arg15 : memref<48x1024xf32, #tpu.memory_space<vmem>>) target(%dma_start3A_61 : memref<48x1024xf32, #tpu.memory_space<hbm>>) target_semaphore(%run_scoped3A : memref<!tpu.dma_semaphore, #tpu.memory_space<semaphore_mem>>)
      %dma_wait3A_62 = arith.constant 0 : i32
      %dma_wait3A_63 = tpu.memref_slice %arg7[%add3A_57, %dma_wait3A_62] : memref<6144x1024xf32, #tpu.memory_space<hbm>> -> memref<48x1024xf32, #tpu.memory_space<hbm>>
      %dma_wait3A_64 = arith.constant 0 : i32
      %dma_wait3A_65 = tpu.memref_slice %arg7[%add3A_57, %dma_wait3A_64] : memref<6144x1024xf32, #tpu.memory_space<hbm>> -> memref<48x1024xf32, #tpu.memory_space<hbm>>
      tpu.wait_dma2 semaphore(%run_scoped3A : memref<!tpu.dma_semaphore, #tpu.memory_space<semaphore_mem>>) src(%arg15 : memref<48x1024xf32, #tpu.memory_space<vmem>>) dst(%dma_wait3A_65 : memref<48x1024xf32, #tpu.memory_space<hbm>>)
      tpu.yield
    }) : () -> ()
    return
  }
}

module attributes {stable_mosaic.version = 14 : i64} {
  func.func @body(%arg0: i32, %arg1: i32, %arg2: memref<24xi32, #tpu.memory_space<smem>>, %arg3: memref<1xi32, #tpu.memory_space<smem>>, %arg4: memref<256x1024xf32, #tpu.memory_space<vmem>>, %arg5: memref<1x1408x1024xf32, #tpu.memory_space<vmem>>, %arg6: memref<1x1408x1024xf32, #tpu.memory_space<vmem>>, %arg7: memref<256x1408xbf16, #tpu.memory_space<vmem>>) attributes {dimension_semantics = [#tpu.dimension_semantics<arbitrary>, #tpu.dimension_semantics<arbitrary>], iteration_bounds = array<i64: 2, 24>, scalar_prefetch = 2 : i64, scratch_operands = 0 : i64, tpu.core_type = #tpu.core_type<tc>, window_params = [{transform_indices = @transform_0, window_bounds = array<i64: 256, 1024>}, {transform_indices = @transform_1, window_bounds = array<i64: 1, 1408, 1024>}, {transform_indices = @transform_2, window_bounds = array<i64: 1, 1408, 1024>}, {transform_indices = @transform_3, window_bounds = array<i64: 256, 1408>}]} {
    %get3A = arith.constant 0 : index
    %get3A_0 = memref.load %arg3[%get3A] : memref<1xi32, #tpu.memory_space<smem>>
    %lt3A = arith.cmpi slt, %arg1, %get3A_0 : i32
    %convert_element_type3A = arith.extui %lt3A : i1 to i32
    %cond3A = arith.constant 0 : i32
    %cond3A_1 = arith.cmpi ne, %convert_element_type3A, %cond3A : i32
    scf.if %cond3A_1 {
      %get3A_2 = arith.constant 0 : index
      %get3A_3 = arith.constant 0 : index
      %get3A_4 = vector.load %arg4[%get3A_2, %get3A_3] : memref<256x1024xf32, #tpu.memory_space<vmem>>, vector<256x1024xf32>
      %convert_element_type3A_5 = arith.truncf %get3A_4 : vector<256x1024xf32> to vector<256x1024xbf16>
      %get3A_6 = arith.constant 0 : index
      %get3A_7 = arith.constant 0 : index
      %get3A_8 = arith.constant 0 : index
      %get3A_9 = vector.load %arg5[%get3A_6, %get3A_7, %get3A_8] : memref<1x1408x1024xf32, #tpu.memory_space<vmem>>, vector<1x1408x1024xf32>
      %get3A_10 = vector.shape_cast %get3A_9 : vector<1x1408x1024xf32> to vector<1408x1024xf32>
      %convert_element_type3A_11 = arith.truncf %get3A_10 : vector<1408x1024xf32> to vector<1408x1024xbf16>
      %get3A_12 = arith.constant 0 : index
      %get3A_13 = arith.constant 0 : index
      %get3A_14 = arith.constant 0 : index
      %get3A_15 = vector.load %arg6[%get3A_12, %get3A_13, %get3A_14] : memref<1x1408x1024xf32, #tpu.memory_space<vmem>>, vector<1x1408x1024xf32>
      %get3A_16 = vector.shape_cast %get3A_15 : vector<1x1408x1024xf32> to vector<1408x1024xf32>
      %convert_element_type3A_17 = arith.truncf %get3A_16 : vector<1408x1024xf32> to vector<1408x1024xbf16>
      %dot_general3A = arith.constant dense<0.000000e+00> : vector<256x1408xf32>
      %dot_general3A_18 = tpu.matmul %convert_element_type3A_5, %convert_element_type3A_11, %dot_general3A {dimension_numbers = #tpu.dot_dimension_numbers<[1], [1], [0], [0], [0, 0, 1, 0], [], []>, transpose_lhs_hint = false} : vector<256x1024xbf16>, vector<1408x1024xbf16>, vector<256x1408xf32> -> vector<256x1408xf32>
      %dot_general3A_19 = arith.constant dense<0.000000e+00> : vector<256x1408xf32>
      %dot_general3A_20 = tpu.matmul %convert_element_type3A_5, %convert_element_type3A_17, %dot_general3A_19 {dimension_numbers = #tpu.dot_dimension_numbers<[1], [1], [0], [0], [0, 0, 1, 0], [], []>, transpose_lhs_hint = false} : vector<256x1024xbf16>, vector<1408x1024xbf16>, vector<256x1408xf32> -> vector<256x1408xf32>
      %convert_element_type3A_21 = arith.truncf %dot_general3A_18 : vector<256x1408xf32> to vector<256x1408xbf16>
      %logistic3A = arith.negf %convert_element_type3A_21 : vector<256x1408xbf16>
      %logistic3A_22 = math.exp %logistic3A : vector<256x1408xbf16>
      %logistic3A_23 = arith.constant 1.000000e+00 : bf16
      %logistic3A_24 = vector.broadcast %logistic3A_23 : bf16 to vector<256x1408xbf16>
      %logistic3A_25 = arith.addf %logistic3A_24, %logistic3A_22 : vector<256x1408xbf16>
      %logistic3A_26 = arith.divf %logistic3A_24, %logistic3A_25 : vector<256x1408xbf16>
      %mul3A = arith.mulf %convert_element_type3A_21, %logistic3A_26 : vector<256x1408xbf16>
      %convert_element_type3A_27 = arith.truncf %dot_general3A_20 : vector<256x1408xf32> to vector<256x1408xbf16>
      %mul3A_28 = arith.mulf %mul3A, %convert_element_type3A_27 : vector<256x1408xbf16>
      %swap3A = arith.constant 0 : index
      %swap3A_29 = arith.constant 0 : index
      %swap3A_30 = vector.load %arg7[%swap3A, %swap3A_29] : memref<256x1408xbf16, #tpu.memory_space<vmem>>, vector<256x1408xbf16>
      tpu.vector_store %arg7[%swap3A, %swap3A_29], %mul3A_28 {strides = array<i32>} : memref<256x1408xbf16, #tpu.memory_space<vmem>>, vector<256x1408xbf16>,
    } else {
    }
    return
  }
  func.func @transform_0(%arg0: i32, %arg1: i32, %arg2: memref<24xi32, #tpu.memory_space<smem>>, %arg3: memref<1xi32, #tpu.memory_space<smem>>) -> (i32, i32) {
    %c0_i32 = arith.constant 0 : i32
    %c0_i32_0 = arith.constant 0 : i32
    return %arg1, %c0_i32 : i32, i32
  }
  func.func @transform_1(%arg0: i32, %arg1: i32, %arg2: memref<24xi32, #tpu.memory_space<smem>>, %arg3: memref<1xi32, #tpu.memory_space<smem>>) -> (i32, i32, i32) {
    %get3A = arith.index_cast %arg1 : i32 to index
    %get3A_0 = memref.load %arg2[%get3A] : memref<24xi32, #tpu.memory_space<smem>>
    %c0_i32 = arith.constant 0 : i32
    %c0_i32_1 = arith.constant 0 : i32
    return %get3A_0, %arg0, %c0_i32 : i32, i32, i32
  }
  func.func @transform_2(%arg0: i32, %arg1: i32, %arg2: memref<24xi32, #tpu.memory_space<smem>>, %arg3: memref<1xi32, #tpu.memory_space<smem>>) -> (i32, i32, i32) {
    %get3A = arith.index_cast %arg1 : i32 to index
    %get3A_0 = memref.load %arg2[%get3A] : memref<24xi32, #tpu.memory_space<smem>>
    %c0_i32 = arith.constant 0 : i32
    %c0_i32_1 = arith.constant 0 : i32
    return %get3A_0, %arg0, %c0_i32 : i32, i32, i32
  }
  func.func @transform_3(%arg0: i32, %arg1: i32, %arg2: memref<24xi32, #tpu.memory_space<smem>>, %arg3: memref<1xi32, #tpu.memory_space<smem>>) -> (i32, i32) {
    %c0_i32 = arith.constant 0 : i32
    return %arg1, %arg0 : i32, i32
  }
}

module attributes {stable_mosaic.version = 14 : i64} {
  func.func @body(%arg0: i32, %arg1: memref<24xi32, #tpu.memory_space<smem>>, %arg2: memref<1xi32, #tpu.memory_space<smem>>, %arg3: memref<256x2816xbf16, #tpu.memory_space<vmem>>, %arg4: memref<1x1024x2816xf32, #tpu.memory_space<vmem>>, %arg5: memref<256x1xf32, #tpu.memory_space<vmem>>, %arg6: memref<256x1024xf32, #tpu.memory_space<vmem>>) attributes {dimension_semantics = [#tpu.dimension_semantics<arbitrary>], iteration_bounds = array<i64: 24>, scalar_prefetch = 2 : i64, scratch_operands = 0 : i64, tpu.core_type = #tpu.core_type<tc>, window_params = [{transform_indices = @transform_0, window_bounds = array<i64: 256, 2816>}, {transform_indices = @transform_1, window_bounds = array<i64: 1, 1024, 2816>}, {transform_indices = @transform_2, window_bounds = array<i64: 256, 1>}, {transform_indices = @transform_3, window_bounds = array<i64: 256, 1024>}]} {
    %get3A = arith.constant 0 : index
    %get3A_0 = memref.load %arg2[%get3A] : memref<1xi32, #tpu.memory_space<smem>>
    %lt3A = arith.cmpi slt, %arg0, %get3A_0 : i32
    %convert_element_type3A = arith.extui %lt3A : i1 to i32
    %cond3A = arith.constant 0 : i32
    %cond3A_1 = arith.cmpi ne, %convert_element_type3A, %cond3A : i32
    scf.if %cond3A_1 {
      %get3A_2 = arith.constant 0 : index
      %get3A_3 = arith.constant 0 : index
      %get3A_4 = vector.load %arg3[%get3A_2, %get3A_3] : memref<256x2816xbf16, #tpu.memory_space<vmem>>, vector<256x2816xbf16>
      %get3A_5 = arith.constant 0 : index
      %get3A_6 = arith.constant 0 : index
      %get3A_7 = arith.constant 0 : index
      %get3A_8 = vector.load %arg4[%get3A_5, %get3A_6, %get3A_7] : memref<1x1024x2816xf32, #tpu.memory_space<vmem>>, vector<1x1024x2816xf32>
      %get3A_9 = vector.shape_cast %get3A_8 : vector<1x1024x2816xf32> to vector<1024x2816xf32>
      %convert_element_type3A_10 = arith.truncf %get3A_9 : vector<1024x2816xf32> to vector<1024x2816xbf16>
      %dot_general3A = arith.constant dense<0.000000e+00> : vector<256x1024xf32>
      %dot_general3A_11 = tpu.matmul %get3A_4, %convert_element_type3A_10, %dot_general3A {dimension_numbers = #tpu.dot_dimension_numbers<[1], [1], [0], [0], [0, 0, 1, 0], [], []>, transpose_lhs_hint = false} : vector<256x2816xbf16>, vector<1024x2816xbf16>, vector<256x1024xf32> -> vector<256x1024xf32>
      %get3A_12 = arith.constant 0 : index
      %get3A_13 = arith.constant 0 : index
      %get3A_14 = vector.load %arg5[%get3A_12, %get3A_13] : memref<256x1xf32, #tpu.memory_space<vmem>>, vector<256x1xf32>
      %mul3A = vector.broadcast %get3A_14 : vector<256x1xf32> to vector<256x1024xf32>
      %mul3A_15 = arith.mulf %dot_general3A_11, %mul3A : vector<256x1024xf32>
      %swap3A = arith.constant 0 : index
      %swap3A_16 = arith.constant 0 : index
      %swap3A_17 = vector.load %arg6[%swap3A, %swap3A_16] : memref<256x1024xf32, #tpu.memory_space<vmem>>, vector<256x1024xf32>
      tpu.vector_store %arg6[%swap3A, %swap3A_16], %mul3A_15 {strides = array<i32>} : memref<256x1024xf32, #tpu.memory_space<vmem>>, vector<256x1024xf32>,
    } else {
    }
    return
  }
  func.func @transform_0(%arg0: i32, %arg1: memref<24xi32, #tpu.memory_space<smem>>, %arg2: memref<1xi32, #tpu.memory_space<smem>>) -> (i32, i32) {
    %c0_i32 = arith.constant 0 : i32
    %c0_i32_0 = arith.constant 0 : i32
    return %arg0, %c0_i32 : i32, i32
  }
  func.func @transform_1(%arg0: i32, %arg1: memref<24xi32, #tpu.memory_space<smem>>, %arg2: memref<1xi32, #tpu.memory_space<smem>>) -> (i32, i32, i32) {
    %get3A = arith.index_cast %arg0 : i32 to index
    %get3A_0 = memref.load %arg1[%get3A] : memref<24xi32, #tpu.memory_space<smem>>
    %c0_i32 = arith.constant 0 : i32
    %c0_i32_1 = arith.constant 0 : i32
    %c0_i32_2 = arith.constant 0 : i32
    return %get3A_0, %c0_i32, %c0_i32_1 : i32, i32, i32
  }
  func.func @transform_2(%arg0: i32, %arg1: memref<24xi32, #tpu.memory_space<smem>>, %arg2: memref<1xi32, #tpu.memory_space<smem>>) -> (i32, i32) {
    %c0_i32 = arith.constant 0 : i32
    %c0_i32_0 = arith.constant 0 : i32
    return %arg0, %c0_i32 : i32, i32
  }
  func.func @transform_3(%arg0: i32, %arg1: memref<24xi32, #tpu.memory_space<smem>>, %arg2: memref<1xi32, #tpu.memory_space<smem>>) -> (i32, i32) {
    %c0_i32 = arith.constant 0 : i32
    %c0_i32_0 = arith.constant 0 : i32
    return %arg0, %c0_i32 : i32, i32
  }
}

module attributes {stable_mosaic.version = 14 : i64} {
  func.func @body(%arg0: i32, %arg1: memref<256x1024xf32, #tpu.memory_space<vmem>>, %arg2: memref<1408x1024xf32, #tpu.memory_space<vmem>>, %arg3: memref<1408x1024xf32, #tpu.memory_space<vmem>>, %arg4: memref<1024x1408xf32, #tpu.memory_space<vmem>>, %arg5: memref<256x1024xf32, #tpu.memory_space<vmem>>, %arg6: memref<256x1024xf32, #tpu.memory_space<vmem>>, %arg7: memref<256x1024xf32, #tpu.memory_space<vmem>>) attributes {dimension_semantics = [#tpu.dimension_semantics<parallel>], iteration_bounds = array<i64: 8>, scalar_prefetch = 0 : i64, scratch_operands = 0 : i64, tpu.core_type = #tpu.core_type<tc>, window_params = [{transform_indices = @transform_0, window_bounds = array<i64: 256, 1024>}, {pipeline_mode = #tpu.pipeline_mode<synchronous>, transform_indices = @transform_1, window_bounds = array<i64: 1408, 1024>}, {pipeline_mode = #tpu.pipeline_mode<synchronous>, transform_indices = @transform_2, window_bounds = array<i64: 1408, 1024>}, {pipeline_mode = #tpu.pipeline_mode<synchronous>, transform_indices = @transform_3, window_bounds = array<i64: 1024, 1408>}, {transform_indices = @transform_4, window_bounds = array<i64: 256, 1024>}, {transform_indices = @transform_5, window_bounds = array<i64: 256, 1024>}, {transform_indices = @transform_6, window_bounds = array<i64: 256, 1024>}]} {
    %get3A = arith.constant 0 : index
    %get3A_0 = arith.constant 0 : index
    %get3A_1 = vector.load %arg1[%get3A, %get3A_0] : memref<256x1024xf32, #tpu.memory_space<vmem>>, vector<256x1024xf32>
    %convert_element_type3A = arith.truncf %get3A_1 : vector<256x1024xf32> to vector<256x1024xbf16>
    %get3A_2 = arith.constant 0 : index
    %get3A_3 = arith.constant 0 : index
    %get3A_4 = vector.load %arg2[%get3A_2, %get3A_3] : memref<1408x1024xf32, #tpu.memory_space<vmem>>, vector<1408x1024xf32>
    %convert_element_type3A_5 = arith.truncf %get3A_4 : vector<1408x1024xf32> to vector<1408x1024xbf16>
    %get3A_6 = arith.constant 0 : index
    %get3A_7 = arith.constant 0 : index
    %get3A_8 = vector.load %arg3[%get3A_6, %get3A_7] : memref<1408x1024xf32, #tpu.memory_space<vmem>>, vector<1408x1024xf32>
    %convert_element_type3A_9 = arith.truncf %get3A_8 : vector<1408x1024xf32> to vector<1408x1024xbf16>
    %dot_general3A = arith.constant dense<0.000000e+00> : vector<256x1408xf32>
    %dot_general3A_10 = tpu.matmul %convert_element_type3A, %convert_element_type3A_5, %dot_general3A {dimension_numbers = #tpu.dot_dimension_numbers<[1], [1], [0], [0], [0, 0, 1, 0], [], []>, transpose_lhs_hint = false} : vector<256x1024xbf16>, vector<1408x1024xbf16>, vector<256x1408xf32> -> vector<256x1408xf32>
    %dot_general3A_11 = arith.constant dense<0.000000e+00> : vector<256x1408xf32>
    %dot_general3A_12 = tpu.matmul %convert_element_type3A, %convert_element_type3A_9, %dot_general3A_11 {dimension_numbers = #tpu.dot_dimension_numbers<[1], [1], [0], [0], [0, 0, 1, 0], [], []>, transpose_lhs_hint = false} : vector<256x1024xbf16>, vector<1408x1024xbf16>, vector<256x1408xf32> -> vector<256x1408xf32>
    %logistic3A = arith.negf %dot_general3A_10 : vector<256x1408xf32>
    %logistic3A_13 = math.exp %logistic3A : vector<256x1408xf32>
    %logistic3A_14 = arith.constant 1.000000e+00 : f32
    %logistic3A_15 = vector.broadcast %logistic3A_14 : f32 to vector<256x1408xf32>
    %logistic3A_16 = arith.addf %logistic3A_15, %logistic3A_13 : vector<256x1408xf32>
    %logistic3A_17 = arith.divf %logistic3A_15, %logistic3A_16 : vector<256x1408xf32>
    %mul3A = arith.mulf %dot_general3A_10, %logistic3A_17 : vector<256x1408xf32>
    %mul3A_18 = arith.mulf %mul3A, %dot_general3A_12 : vector<256x1408xf32>
    %convert_element_type3A_19 = arith.truncf %mul3A_18 : vector<256x1408xf32> to vector<256x1408xbf16>
    %get3A_20 = arith.constant 0 : index
    %get3A_21 = arith.constant 0 : index
    %get3A_22 = vector.load %arg4[%get3A_20, %get3A_21] : memref<1024x1408xf32, #tpu.memory_space<vmem>>, vector<1024x1408xf32>
    %convert_element_type3A_23 = arith.truncf %get3A_22 : vector<1024x1408xf32> to vector<1024x1408xbf16>
    %dot_general3A_24 = arith.constant dense<0.000000e+00> : vector<256x1024xf32>
    %dot_general3A_25 = tpu.matmul %convert_element_type3A_19, %convert_element_type3A_23, %dot_general3A_24 {dimension_numbers = #tpu.dot_dimension_numbers<[1], [1], [0], [0], [0, 0, 1, 0], [], []>, transpose_lhs_hint = false} : vector<256x1408xbf16>, vector<1024x1408xbf16>, vector<256x1024xf32> -> vector<256x1024xf32>
    %get3A_26 = arith.constant 0 : index
    %get3A_27 = arith.constant 0 : index
    %get3A_28 = vector.load %arg5[%get3A_26, %get3A_27] : memref<256x1024xf32, #tpu.memory_space<vmem>>, vector<256x1024xf32>
    %add3A = arith.addf %dot_general3A_25, %get3A_28 : vector<256x1024xf32>
    %get3A_29 = arith.constant 0 : index
    %get3A_30 = arith.constant 0 : index
    %get3A_31 = vector.load %arg6[%get3A_29, %get3A_30] : memref<256x1024xf32, #tpu.memory_space<vmem>>, vector<256x1024xf32>
    %add3A_32 = arith.addf %add3A, %get3A_31 : vector<256x1024xf32>
    %swap3A = arith.constant 0 : index
    %swap3A_33 = arith.constant 0 : index
    %swap3A_34 = vector.load %arg7[%swap3A, %swap3A_33] : memref<256x1024xf32, #tpu.memory_space<vmem>>, vector<256x1024xf32>
    tpu.vector_store %arg7[%swap3A, %swap3A_33], %add3A_32 {strides = array<i32>} : memref<256x1024xf32, #tpu.memory_space<vmem>>, vector<256x1024xf32>,
    return
  }
  func.func @transform_0(%arg0: i32) -> (i32, i32) {
    %c0_i32 = arith.constant 0 : i32
    %c0_i32_0 = arith.constant 0 : i32
    return %arg0, %c0_i32 : i32, i32
  }
  func.func @transform_1(%arg0: i32) -> (i32, i32) {
    %c0_i32 = arith.constant 0 : i32
    %c0_i32_0 = arith.constant 0 : i32
    %c0_i32_1 = arith.constant 0 : i32
    return %c0_i32, %c0_i32_0 : i32, i32
  }
  func.func @transform_2(%arg0: i32) -> (i32, i32) {
    %c0_i32 = arith.constant 0 : i32
    %c0_i32_0 = arith.constant 0 : i32
    %c0_i32_1 = arith.constant 0 : i32
    return %c0_i32, %c0_i32_0 : i32, i32
  }
  func.func @transform_3(%arg0: i32) -> (i32, i32) {
    %c0_i32 = arith.constant 0 : i32
    %c0_i32_0 = arith.constant 0 : i32
    %c0_i32_1 = arith.constant 0 : i32
    return %c0_i32, %c0_i32_0 : i32, i32
  }
  func.func @transform_4(%arg0: i32) -> (i32, i32) {
    %c0_i32 = arith.constant 0 : i32
    %c0_i32_0 = arith.constant 0 : i32
    return %arg0, %c0_i32 : i32, i32
  }
  func.func @transform_5(%arg0: i32) -> (i32, i32) {
    %add3A = arith.constant 8 : i32
    %add3A_0 = arith.addi %arg0, %add3A : i32
    %c0_i32 = arith.constant 0 : i32
    %c0_i32_1 = arith.constant 0 : i32
    return %add3A_0, %c0_i32 : i32, i32
  }
  func.func @transform_6(%arg0: i32) -> (i32, i32) {
    %c0_i32 = arith.constant 0 : i32
    %c0_i32_0 = arith.constant 0 : i32
    return %arg0, %c0_i32 : i32, i32
  }
}

</mosaic_0001>

<sc_bundles>
// kernel: kernel.10.cloned.1.call-start
scs
__scs_entry_jumppad:
0x0: {  	(pc) =	sbr.rel $0x88, $3  }
0x1: {  	(tag) =	ssettag $0x0;
	lr =	simm.s32 $0x1  }
0x2: {  	[smem:$0x3F98] =	sst lr;
	_ =	strace $0xD0000000  }
0x3: {  	_ = 	snop  }
0x4: {  	_ = 	snop  }
0x5: {  	_ = 	snop  }
0x6: {  	_ = 	snop  }
0x7: {  	_ = 	snop  }
__scs_overlays_trampoline_lowered:
0x8: {  	[smem:$0x3FA7] =	sst s0  }
0x9: {  	[smem:$0x3FA8] =	sst s1  }
0xa: {  	[smem:$0x3FA9] =	sst s2  }
0xb: {  	[smem:$0x3FAA] =	sst s3  }
0xc: {  	[smem:$0x3FAB] =	sst s4  }
0xd: {  	[smem:$0x3FAC] =	sst s5  }
0xe: {  	[smem:$0x3FAD] =	sst s6  }
0xf: {  	[smem:$0x3FAE] =	sst s7  }
0x10: {  	[smem:$0x3FAF] =	sst s8  }
0x11: {  	[smem:$0x3FB0] =	sst s9;
	s0 =	simm.s32 @!p0 $0x0  }
0x12: {  	s1 =	sld [smem:$0x3F96];
	s0 =	simm.s32 @p0 $0x1  }
0x13: {  	[smem:$0x3FB1] =	sst s0;
	s0 =	simm.s32 @!p1 $0x0  }
0x14: {  	s2 =	sld [smem:$0x3F95];
	s0 =	simm.s32 @p1 $0x1  }
0x15: {  	[smem:$0x3FB2] =	sst s0;
	s0 =	simm.s32 @!p2 $0x0  }
0x16: {  	s3 =	sld [smem:$0x3FDB];
	s0 =	simm.s32 @p2 $0x1  }
0x17: {  	s4 =	simm.s32 $0x1BF5;
	[smem:$0x3FB4] =	sst s0  }
0x18: {  	s0 =	sld [smem:$0x3F97];
	_ =	swait.ge [sflag:s4], $0x0  }
0x19: {  	s7 =	sld [smem:$0x3F98]  }
0x1a: {  	s8 =	sadd.s32 $0xFFFFE003, lr  }
0x1b: {  	s9 =	sadd.s32 $0xFFFFFEF7, lr;
	s5 =	simm.s32 $0xFFFFFFFF;
	p2 =	slt.u32 s8, $0xFFFFF086  }
0x1c: {  	p1 =	slt.u32 s9, $0xF7A;
	s5 =	simm.s32 @!p2 $0x0  }
0x1d: {  	s5 =	simm.s32 @p1 $0x1;
	p0 =	seq.s32 s7, s2  }
0x1e: {  	s7 =	smul.u32 @!p0 $0xF7A, s2;
	p2 =	seq.s32 @!p0 s5, $0x0  }
0x1f: {  	s9 =	smul.u32 $0xF7A, s1;
	s8 =	simm.s32 @!p0 $0x1BF5;
	p2 =	por !p2, p0  }
0x20: {  	[sflag:s8] =	ssyncset.s32 @!p0 $0xFFFFF086;
	s6 =	sadd.s32 @!p0 s3, s7;
	s7 =	simm.s32 @!p0 $0x108  }
0x21: {  	s3 =	sadd.s32 s3, s9;
	s6 =	sadd.s32 @!p0 $0x88, s6;
	s7 =	simm.s32 @p2 $0x1082  }
0x22: {  	[simem:s7], [sflag:s8] =	dma.local @!p0 [hbm:s6], $0xF7A  }
0x23: {  	s9 =	sor.u32 $0xD0000000, s2;
	s6 =	simm.s32 $0x108;
	_ =	swait.ge @!p0 [sflag:s8], $0x0  }
0x24: {  	s3 =	sadd.s32 $0x88, s3;
	s6 =	simm.s32 @!p1 $0x1082;
	[sflag:s4] =	ssyncset.s32 $0xFFFFF086  }
0x25: {  	[simem:s6], [sflag:s4] =	dma.local [hbm:s3], $0xF7A  }
0x26: {  	[smem:$0x3F98] =	sst s1;
	(tag) =	ssettag s2;
	_ =	strace s9  }
0x27: {  	s1 =	sld [smem:$0x3FA8]  }
0x28: {  	s2 =	sld [smem:$0x3FA9]  }
0x29: {  	s4 =	sld [smem:$0x3FAB]  }
0x2a: {  	p0 =	seq.s32 s5, $0x0;
	s5 =	sld [smem:$0x3FAC]  }
0x2b: {  	s6 =	sld [smem:$0x3FAD]  }
0x2c: {  	s7 =	sld [smem:$0x3FAE]  }
0x2d: {  	s3 =	simm.s32 $0x108;
	s8 =	sld [smem:$0x3FAF]  }
0x2e: {  	s3 =	simm.s32 @!p0 $0x1082;
	s9 =	sld [smem:$0x3FB0]  }
0x2f: {  	lr =	sadd.s32 s0, s3;
	s0 =	sld [smem:$0x3FA7]  }
0x30: {  	s3 =	sld [smem:$0x3FAA]  }
0x31: {  	[smem:$0x3FB3] =	sst s10  }
0x32: {  	s10 =	sld [smem:$0x3FB1];
	_ =	sdelay $0x3  }
0x33: {  	p0 =	seq.s32 s10, $0x1;
	s10 =	sld [smem:$0x3FB3];
	_ =	sdelay $0x3  }
0x34: {  	[smem:$0x3FB3] =	sst s10  }
0x35: {  	s10 =	sld [smem:$0x3FB2];
	_ =	sdelay $0x3  }
0x36: {  	p1 =	seq.s32 s10, $0x1;
	s10 =	sld [smem:$0x3FB3];
	_ =	sdelay $0x3  }
0x37: {  	[smem:$0x3FB3] =	sst s10  }
0x38: {  	s10 =	sld [smem:$0x3FB4]  }
0x39: {  	_ = 	snop;
	(pc) =	sbr.ind lr, $3  }
0x3a: {  	_ = 	snop  }
0x3b: {  	_ = 	snop  }
0x3c: {  	p2 =	seq.s32 s10, $0x1;
	s10 =	sld [smem:$0x3FB3]  }
0x3d: {  	_ =	shalt  }
0x3e: {  	_ =	shalt  }
0x3f: {  	_ =	shalt  }
0x40: {  	_ =	shalt  }
0x41: {  	_ =	shalt  }
0x42: {  	_ =	shalt  }
0x43: {  	_ =	shalt  }
0x44: {  	_ =	shalt  }
0x45: {  	_ =	shalt  }
0x46: {  	_ =	shalt  }
0x47: {  	_ =	shalt  }
0x48: {  	_ =	shalt  }
0x49: {  	_ =	shalt  }
0x4a: {  	_ =	shalt  }
0x4b: {  	_ =	shalt  }
0x4c: {  	_ =	shalt  }
0x4d: {  	_ =	shalt  }
0x4e: {  	_ =	shalt  }
0x4f: {  	_ =	shalt  }
0x50: {  	_ =	shalt  }
0x51: {  	_ =	shalt  }
0x52: {  	_ =	shalt  }
0x53: {  	_ =	shalt  }
0x54: {  	_ =	shalt  }
0x55: {  	_ =	shalt  }
0x56: {  	_ =	shalt  }
0x57: {  	_ =	shalt  }
0x58: {  	_ =	shalt  }
0x59: {  	_ =	shalt  }
0x5a: {  	_ =	shalt  }
0x5b: {  	_ =	shalt  }
0x5c: {  	_ =	shalt  }
0x5d: {  	_ =	shalt  }
0x5e: {  	_ =	shalt  }
0x5f: {  	_ =	shalt  }
0x60: {  	_ =	shalt  }
0x61: {  	_ =	shalt  }
0x62: {  	_ =	shalt  }
0x63: {  	_ =	shalt  }
0x64: {  	_ =	shalt  }
0x65: {  	_ =	shalt  }
0x66: {  	_ =	shalt  }
0x67: {  	_ =	shalt  }
0x68: {  	_ =	shalt  }
0x69: {  	_ =	shalt  }
0x6a: {  	_ =	shalt  }
0x6b: {  	_ =	shalt  }
0x6c: {  	_ =	shalt  }
0x6d: {  	_ =	shalt  }
0x6e: {  	_ =	shalt  }
0x6f: {  	_ =	shalt  }
0x70: {  	_ =	shalt  }
0x71: {  	_ =	shalt  }
0x72: {  	_ =	shalt  }
0x73: {  	_ =	shalt  }
0x74: {  	_ =	shalt  }
0x75: {  	_ =	shalt  }
0x76: {  	_ =	shalt  }
0x77: {  	_ =	shalt  }
0x78: {  	_ =	shalt  }
0x79: {  	_ =	shalt  }
0x7a: {  	_ =	shalt  }
0x7b: {  	_ =	shalt  }
0x7c: {  	_ =	shalt  }
0x7d: {  	_ =	shalt  }
0x7e: {  	_ =	shalt  }
0x7f: {  	_ =	shalt  }
0x80: {  	_ =	shalt  }
0x81: {  	_ =	shalt  }
0x82: {  	_ =	shalt  }
0x83: {  	_ =	shalt  }
0x84: {  	_ =	shalt  }
0x85: {  	_ =	shalt  }
0x86: {  	_ =	shalt  }
0x87: {  	_ =	shalt  }
.Lfunc_end0:
.L_simem_size_0:
called_computation.1_lowered:
.L_overlay_start_0:
0x88: {  	s2 =	sld [smem:$0x3FD9]  }
0x89: {  	s3 =	sld [smem:$0x3FFE];
	_ =	sdelay $0x1  }
0x8a: {  	s1 =	srdreg.scid  }
0x8b: {  	s0 =	sand.u32 $0x1, s1  }
0x8c: {  	s16 =	sshll.u32 s0, $0xA;
	s2 =	sadd.s32 s3, s2  }
0x8d: {  	s2 =	sadd.s32 s2, s16  }
0x8e: {  	[smem:$0x3FBF] =	sst s2  }
0x8f: {  	_ = 	snop  }
0x90: {  	(tm) =	ssettm $0x1  }
0x91: {  	s17 =	sld [smem:$0x3FFB];
	_ =	sdelay $0x3  }
0x92: {  	_ =	strace s17  }
0x93: {  	s2 =	sld [smem:$0x3FFC];
	_ =	sdelay $0x3  }
0x94: {  	_ =	strace s2  }
0x95: {  	s2 =	sld [smem:$0x3FFD];
	_ =	sdelay $0x3  }
0x96: {  	_ =	strace s2  }
0x97: {  	_ =	strace $0x8FFFFFFF  }
0x98: {  	s18 =	sld [smem:$0x3FDB];
	_ =	sdelay $0x1  }
0x99: {  	s19 =	simm.s32 $_scs_section_size  }
0x9a: {  	s4 =	simm.s32 $_size__tile_overlayer_lowered;
	s5 =	simm.s32 $_tile_overlayer_lowered  }
0x9b: {  	s22 =	simm.s32 $0x1BFF;
	s21 =	sshll.u32 s5, $0x1;
	s2 =	sadd.s32 s19, s18  }
0x9c: {  	s6 =	simm.s32 $0x0;
	s20 =	sshll.u32 s4, $0x1;
	s4 =	sadd.s32 s21, s2  }
0x9d: {  	[timem:s6], [sflag:s22] =	dma.local [hbm:s4], s20  }
0x9e: {  	_ =	swait.ge [sflag:s22], s20  }
0x9f: {  	s3 =	ssub.s32 $0x0, s20;
	[sflag:s22] =	ssyncset.done $0x0  }
0xa0: {  	[sflag:s22] =	ssyncadd.s32 s3;
	_ =	sdelay $0x1  }
0xa1: {  	s23 =	simm.s32 $0x1B8B  }
0xa2: {  	_ =	swait.ge [sflag:s23], $0x1  }
0xa3: {  	[sflag:s23] =	ssyncset.done $0x0  }
0xa4: {  	s25 =	simm.s32 $0x1B8E;
	s24 =	sld [smem:$0x3FFE];
	[sflag:s23] =	ssyncadd.s32 $0xFFFFFFFF  }
0xa5: {  	s26 =	simm.s32 $execute0_lowered;
	[smem:$0x3FD2] =	sst s25  }
0xa6: {  	s4 =	sshll.u32 s26, $0x1;
	_ =	strace $0x80000049;
	[dreg:$0x1] =	wrdreg $0xFFFFFFFF  }
0xa7: {  	s28 =	simm.s32 $_size_execute0_lowered;
	s2 =	sadd.s32 s2, s4;
	[dreg:$0x0] =	wrdreg $0x0  }
0xa8: {  	s4 =	sshll.u32 s28, $0x1;
	[dreg:$0x2] =	wrdreg s2  }
0xa9: {  	[dreg:$0x3] =	wrdreg s4  }
0xaa: {  	[dreg:$0x4] =	wrdreg $0xC0  }
0xab: {  	_ =	task [dreg:s6], $0x5FFFF  }
0xac: {  	[dreg:$0x1] =	wrdreg $0xFFFFFFFF  }
0xad: {  	[dreg:$0x0] =	wrdreg $0x60  }
0xae: {  	[dreg:$0x2] =	wrdreg s24  }
0xaf: {  	[dreg:$0x3] =	wrdreg $0x9  }
0xb0: {  	_ =	task.clear_ibuf [dreg:s6], $0x4FFFF;
	_ =	strace $0x90000049  }
0xb1: {  	s29 =	simm.s32 $0x9;
	_ =	strace $0x8000004B  }
0xb2: {  	_ =	swait.ge [sflag:s29], $0x1  }
0xb3: {  	[sflag:s29] =	ssyncadd.s32 $0xFFFFFFFF  }
0xb4: {  	_ =	strace $0x9000004B  }
0xb5: {  	_ =	sfence  }
0xb6: {  	s30 =	sld [smem:$0x0];
	_ =	sdelay $0x2  }
0xb7: {  	s31 =	sshll.u32 s1, $0xD;
	s1 =	sshrl.u32 s1, $0x2  }
0xb8: {  	s3 =	sand.u32 $0x4000, s31;
	s1 =	sadd.s32 s1, s30  }
0xb9: {  	s0 =	sor.u32 s3, s0;
	s1 =	sshll.u32 s1, $0x11  }
0xba: {  	s0 =	sor.u32 s1, s0  }
0xbb: {  	s0 =	sadd.s32 $0x8F2B, s0  }
0xbc: {  	[sflag:s0] =	ssyncadd.remote.s32 $0x1  }
0xbd: {  	_ =	sfence.sel $0xFFFF  }
0xbe: {  	[dreg:$0x0] =	wrdreg $0xFFFFFFFF;
	(pc) =	sbr.abs _section_cstart, $3  }
0xbf: {  	[dreg:$0x1] =	wrdreg $0xFFFFFFFF  }
0xc0: {  	_ =	task.clear_ibuf [dreg:s6], $0x2FFFF;
	_ =	strace $0x9FFFFFFF  }
0xc1: {  	(tm) =	ssettm $0x7FFFFFFF  }
tec
execute0_lowered:
.L_overlay_start_1:
0x0: {  	(tag) =	ssettag $0x1  }
0x1: {  	s0 =	rddreg [dreg:$0x0]  }
0x2: {  	s1 =	simm.s32 $0x0;
	s2 =	srdreg.scid;
	s4 =	stileid.u32  }
0x3: {  	s28 =	simm.s32 $0x2900;
	s29 =	simm.s32 $0x3100;
	s30 =	simm.s32 $0x3900  }
0x4: {  	s31 =	simm.s32 $0x4100;
	s11 =	simm.s32 $0x6100;
	s12 =	simm.s32 $0x6900  }
0x5: {  	s13 =	simm.s32 $0x7100;
	s14 =	simm.s32 $0x7900;
	s15 =	simm.s32 $0x80  }
0x6: {  	s16 =	simm.s32 $0x8900;
	s17 =	simm.s32 $0x9100;
	[smem:$0x7FF] =	sst s1  }
0x7: {  	s3 =	sadd.s32 $0x600, s0;
	s2 =	sand.u32 $0x1, s2;
	s5 =	sadd.s32 $0x400, s0  }
0x8: {  	s4 =	sshll.u32 s4, $0x8;
	s7 =	sadd.s32 $0xC0600, s0;
	s6 =	sshll.u32 s2, $0x7  }
0x9: {  	_ =	strace $0x8000004A;
	s2 =	ssub.s32 $0x2, s2;
	s6 =	sor.u32 s6, s4  }
0xa: {  	s18 =	sshrl.u32 s2, $0x1;
	s4 =	sadd.s32 $0x700, s0;
	s8 =	sshrl.u32 s6, $0x3  }
0xb: {  	s9 =	sor.u32 $0x20, s6;
	s2 =	ssub.s32 s2, s18;
	s22 =	sshll.u32 s6, $0x7  }
0xc: {  	s10 =	sor.u32 $0x40, s6;
	s6 =	sor.u32 $0x60, s6;
	s18 =	simm.s32 $0x9900  }
0xd: {  	s19 =	sadd.s32 s5, s8;
	s20 =	sshrl.u32 s9, $0x3;
	s8 =	sadd.s32 s7, s22  }
0xe: {  	s23 =	sshrl.u32 s10, $0x3;
	s9 =	sshll.u32 s9, $0x7;
	s25 =	sshrl.u32 s6, $0x3  }
0xf: {  	s26 =	sshll.u32 s10, $0x7;
	s6 =	sshll.u32 s6, $0x7;
	s22 =	simm.s32 $0x900  }
0x10: {  	s10 =	simm.s32 $0x5900;
	[dreg:$0x2] =	wrdreg s19;
	s21 =	sadd.s32 s5, s20  }
0x11: {  	[dreg:$0x4] =	wrdreg s8;
	s8 =	sadd.s32 s5, s23;
	s24 =	sadd.s32 s7, s9  }
0x12: {  	s5 =	sadd.s32 s5, s25;
	s19 =	simm.s32 $0x1;
	[dreg:$0x3] =	wrdreg s21  }
0x13: {  	s20 =	simm.s32 $0x2;
	s23 =	simm.s32 $0x1100;
	[dreg:$0x5] =	wrdreg s8  }
0x14: {  	s25 =	simm.s32 $0x2100;
	s9 =	simm.s32 $0x4900;
	[dreg:$0x6] =	wrdreg s24  }
0x15: {  	[dreg:$0x7] =	wrdreg s5;
	s8 =	sadd.s32 s7, s26;
	s5 =	sadd.s32 $0x800, s0  }
0x16: {  	v2 =	vlaneseq.u32;
	s7 =	sadd.s32 s7, s6;
	s6 =	sadd.s32 $0x900, s0;
	s26 =	simm.s32 $0x100  }
0x17: {  	vm0 =	vmmov $0xffff;
	v1 =	vshrl.u32 v2, $0x3;
	s24 =	simm.s32 $0x1900;
	s0 =	simm.s32 $0x8100;
	[dreg:$0x8] =	wrdreg s8  }
0x18: {  	v0 =	vand.u32 $0x7, v2;
	v2 =	vor.u32 $0x8, v2;
	v1 =	vmul.u32 $0x8, v1;
	[dreg:$0x9] =	wrdreg s7;
	s7 =	smax.u32 s2, $0x1;
	s8 =	simm.s32 $0x3  }
.LBB2_1:
0x19: {  	s21 =	rddreg [dreg:$0x2]  }
0x1a: {  	[tilespmem:s1], [sflag:$0x3] =	stream.linear.gather [hbm4b:s21+s1], $0x20, $0x38;
	[tilespmem:$0x10100] =	vst v63  }
0x1b: {  	_ =	swait.ge [sflag:s8], $0x20  }
0x1c: {  	[sflag:s8] =	ssyncset.done $0x0  }
0x1d: {  	[sflag:s8] =	ssyncadd.s32 $0xFFFFFFE0  }
0x1e: {  	v3 =	vld [tilespmem:$0x0];
	_ =	sdelay $0x4  }
0x1f: {  	v4 =	vshll.u32 v3, $0x3  }
0x20: {  	v3 =	vand.u32 $0x7, v3;
	v4 =	vand.u32 $0xFFFFFFC0, v4  }
0x21: {  	v3 =	vor.u32 v3, v4  }
0x22: {  	v4 =	vperm.xlane v3, v0;
	_ =	sdelay $0x1  }
0x23: {  	v4 =	vadd.s32 v1, v4;
	_ =	sdelay $0x4  }
0x24: {  	[tilespmem:s26], [sflag:$0x1] =	stream.indirect_vreg.gather [hbm4b:s3+s1], $0x80, v4, vm0, $0xb8;
	[tilespmem:$0x10100] =	vst v63  }
0x25: {  	v3 =	vperm.xlane v3, v2  }
0x26: {  	[tilespmem:s22], [sflag:$0x1] =	stream.indirect_vreg.gather [hbm4b:s4+s1], $0x80, v4, vm0, $0xb8;
	[tilespmem:$0x10100] =	vst v63  }
0x27: {  	v3 =	vadd.s32 v1, v3  }
0x28: {  	[tilespmem:s23], [sflag:$0x1] =	stream.indirect_vreg.gather [hbm4b:s5+s1], $0x80, v4, vm0, $0xb8;
	[tilespmem:$0x10100] =	vst v63  }
0x29: {  	_ = 	snop  }
0x2a: {  	[tilespmem:s24], [sflag:$0x1] =	stream.indirect_vreg.gather [hbm4b:s6+s1], $0x80, v4, vm0, $0xb8;
	[tilespmem:$0x10100] =	vst v63  }
0x2b: {  	_ = 	snop  }
0x2c: {  	[tilespmem:s25], [sflag:$0x1] =	stream.indirect_vreg.gather [hbm4b:s3+s1], $0x80, v3, vm0, $0xb8;
	[tilespmem:$0x10100] =	vst v63  }
0x2d: {  	_ = 	snop  }
0x2e: {  	[tilespmem:s28], [sflag:$0x1] =	stream.indirect_vreg.gather [hbm4b:s4+s1], $0x80, v3, vm0, $0xb8;
	[tilespmem:$0x10100] =	vst v63  }
0x2f: {  	_ = 	snop  }
0x30: {  	[tilespmem:s29], [sflag:$0x1] =	stream.indirect_vreg.gather [hbm4b:s5+s1], $0x80, v3, vm0, $0xb8;
	[tilespmem:$0x10100] =	vst v63  }
0x31: {  	_ = 	snop  }
0x32: {  	[tilespmem:s30], [sflag:$0x1] =	stream.indirect_vreg.gather [hbm4b:s6+s1], $0x80, v3, vm0, $0xb8;
	[tilespmem:$0x10100] =	vst v63  }
0x33: {  	v3 =	vld [tilespmem:$0x10];
	_ =	sdelay $0x4  }
0x34: {  	v57 =	vshll.u32 v3, $0x3  }
0x35: {  	v3 =	vand.u32 $0x7, v3;
	v4 =	vand.u32 $0xFFFFFFC0, v57  }
0x36: {  	v3 =	vor.u32 v3, v4  }
0x37: {  	v4 =	vperm.xlane v3, v0;
	_ =	sdelay $0x1  }
0x38: {  	v4 =	vadd.s32 v1, v4;
	_ =	sdelay $0x4  }
0x39: {  	[tilespmem:s31], [sflag:$0x1] =	stream.indirect_vreg.gather [hbm4b:s3+s1], $0x80, v4, vm0, $0xb8;
	[tilespmem:$0x10100] =	vst v63  }
0x3a: {  	v3 =	vperm.xlane v3, v2  }
0x3b: {  	[tilespmem:s9], [sflag:$0x1] =	stream.indirect_vreg.gather [hbm4b:s4+s1], $0x80, v4, vm0, $0xb8;
	[tilespmem:$0x10100] =	vst v63  }
0x3c: {  	s2 =	simm.s32 $0x5100;
	v3 =	vadd.s32 v1, v3  }
0x3d: {  	[tilespmem:s2], [sflag:$0x1] =	stream.indirect_vreg.gather [hbm4b:s5+s1], $0x80, v4, vm0, $0xb8;
	[tilespmem:$0x10100] =	vst v63  }
0x3e: {  	_ = 	snop  }
0x3f: {  	[tilespmem:s10], [sflag:$0x1] =	stream.indirect_vreg.gather [hbm4b:s6+s1], $0x80, v4, vm0, $0xb8;
	[tilespmem:$0x10100] =	vst v63  }
0x40: {  	_ = 	snop  }
0x41: {  	[tilespmem:s11], [sflag:$0x1] =	stream.indirect_vreg.gather [hbm4b:s3+s1], $0x80, v3, vm0, $0xb8;
	[tilespmem:$0x10100] =	vst v63  }
0x42: {  	_ = 	snop  }
0x43: {  	[tilespmem:s12], [sflag:$0x1] =	stream.indirect_vreg.gather [hbm4b:s4+s1], $0x80, v3, vm0, $0xb8;
	[tilespmem:$0x10100] =	vst v63  }
0x44: {  	_ = 	snop  }
0x45: {  	[tilespmem:s13], [sflag:$0x1] =	stream.indirect_vreg.gather [hbm4b:s5+s1], $0x80, v3, vm0, $0xb8;
	[tilespmem:$0x10100] =	vst v63  }
0x46: {  	_ = 	snop  }
0x47: {  	[tilespmem:s14], [sflag:$0x1] =	stream.indirect_vreg.gather [hbm4b:s6+s1], $0x80, v3, vm0, $0xb8;
	[tilespmem:$0x10100] =	vst v63  }
0x48: {  	s21 =	rddreg [dreg:$0x3]  }
0x49: {  	[tilespmem:s15], [sflag:$0x3] =	stream.linear.gather [hbm4b:s21+s1], $0x20, $0x38;
	[tilespmem:$0x10100] =	vst v63  }
0x4a: {  	_ =	swait.ge [sflag:s8], $0x20  }
0x4b: {  	[sflag:s8] =	ssyncset.done $0x0  }
0x4c: {  	[sflag:s8] =	ssyncadd.s32 $0xFFFFFFE0  }
0x4d: {  	v3 =	vld [tilespmem:$0x80];
	_ =	sdelay $0x4  }
0x4e: {  	v58 =	vshll.u32 v3, $0x3  }
0x4f: {  	v3 =	vand.u32 $0x7, v3;
	v4 =	vand.u32 $0xFFFFFFC0, v58  }
0x50: {  	v3 =	vor.u32 v3, v4  }
0x51: {  	v4 =	vperm.xlane v3, v0;
	_ =	sdelay $0x1  }
0x52: {  	v4 =	vadd.s32 v1, v4;
	_ =	sdelay $0x4  }
0x53: {  	[tilespmem:s0], [sflag:$0x2] =	stream.indirect_vreg.gather [hbm4b:s3+s1], $0x80, v4, vm0, $0xb8;
	[tilespmem:$0x10100] =	vst v63  }
0x54: {  	v3 =	vperm.xlane v3, v2  }
0x55: {  	[tilespmem:s16], [sflag:$0x2] =	stream.indirect_vreg.gather [hbm4b:s4+s1], $0x80, v4, vm0, $0xb8;
	[tilespmem:$0x10100] =	vst v63  }
0x56: {  	v3 =	vadd.s32 v1, v3  }
0x57: {  	[tilespmem:s17], [sflag:$0x2] =	stream.indirect_vreg.gather [hbm4b:s5+s1], $0x80, v4, vm0, $0xb8;
	[tilespmem:$0x10100] =	vst v63  }
0x58: {  	_ = 	snop  }
0x59: {  	[tilespmem:s18], [sflag:$0x2] =	stream.indirect_vreg.gather [hbm4b:s6+s1], $0x80, v4, vm0, $0xb8;
	[tilespmem:$0x10100] =	vst v63  }
0x5a: {  	s21 =	simm.s32 $0xA100  }
0x5b: {  	[tilespmem:s21], [sflag:$0x2] =	stream.indirect_vreg.gather [hbm4b:s3+s1], $0x80, v3, vm0, $0xb8;
	[tilespmem:$0x10100] =	vst v63  }
0x5c: {  	s21 =	simm.s32 $0xA900  }
0x5d: {  	[tilespmem:s21], [sflag:$0x2] =	stream.indirect_vreg.gather [hbm4b:s4+s1], $0x80, v3, vm0, $0xb8;
	[tilespmem:$0x10100] =	vst v63  }
0x5e: {  	s21 =	simm.s32 $0xB100  }
0x5f: {  	[tilespmem:s21], [sflag:$0x2] =	stream.indirect_vreg.gather [hbm4b:s5+s1], $0x80, v3, vm0, $0xb8;
	[tilespmem:$0x10100] =	vst v63  }
0x60: {  	s21 =	simm.s32 $0xB900  }
0x61: {  	[tilespmem:s21], [sflag:$0x2] =	stream.indirect_vreg.gather [hbm4b:s6+s1], $0x80, v3, vm0, $0xb8;
	[tilespmem:$0x10100] =	vst v63  }
0x62: {  	v3 =	vld [tilespmem:$0x90];
	_ =	sdelay $0x4  }
0x63: {  	v59 =	vshll.u32 v3, $0x3  }
0x64: {  	v3 =	vand.u32 $0x7, v3;
	v4 =	vand.u32 $0xFFFFFFC0, v59  }
0x65: {  	v3 =	vor.u32 v3, v4  }
0x66: {  	v4 =	vperm.xlane v3, v0;
	_ =	sdelay $0x1  }
0x67: {  	v4 =	vadd.s32 v1, v4;
	_ =	sdelay $0x3  }
0x68: {  	s21 =	simm.s32 $0xC100  }
0x69: {  	[tilespmem:s21], [sflag:$0x2] =	stream.indirect_vreg.gather [hbm4b:s3+s1], $0x80, v4, vm0, $0xb8;
	[tilespmem:$0x10100] =	vst v63  }
0x6a: {  	v3 =	vperm.xlane v3, v2;
	s21 =	simm.s32 $0xC900  }
0x6b: {  	[tilespmem:s21], [sflag:$0x2] =	stream.indirect_vreg.gather [hbm4b:s4+s1], $0x80, v4, vm0, $0xb8;
	[tilespmem:$0x10100] =	vst v63  }
0x6c: {  	v3 =	vadd.s32 v1, v3;
	s21 =	simm.s32 $0xD100  }
0x6d: {  	[tilespmem:s21], [sflag:$0x2] =	stream.indirect_vreg.gather [hbm4b:s5+s1], $0x80, v4, vm0, $0xb8;
	[tilespmem:$0x10100] =	vst v63  }
0x6e: {  	s21 =	simm.s32 $0xD900  }
0x6f: {  	[tilespmem:s21], [sflag:$0x2] =	stream.indirect_vreg.gather [hbm4b:s6+s1], $0x80, v4, vm0, $0xb8;
	[tilespmem:$0x10100] =	vst v63  }
0x70: {  	s21 =	simm.s32 $0xE100  }
0x71: {  	[tilespmem:s21], [sflag:$0x2] =	stream.indirect_vreg.gather [hbm4b:s3+s1], $0x80, v3, vm0, $0xb8;
	[tilespmem:$0x10100] =	vst v63  }
0x72: {  	s21 =	simm.s32 $0xE900  }
0x73: {  	[tilespmem:s21], [sflag:$0x2] =	stream.indirect_vreg.gather [hbm4b:s4+s1], $0x80, v3, vm0, $0xb8;
	[tilespmem:$0x10100] =	vst v63  }
0x74: {  	s21 =	simm.s32 $0xF100  }
0x75: {  	[tilespmem:s21], [sflag:$0x2] =	stream.indirect_vreg.gather [hbm4b:s5+s1], $0x80, v3, vm0, $0xb8;
	[tilespmem:$0x10100] =	vst v63  }
0x76: {  	s21 =	simm.s32 $0xF900  }
0x77: {  	[tilespmem:s21], [sflag:$0x2] =	stream.indirect_vreg.gather [hbm4b:s6+s1], $0x80, v3, vm0, $0xb8;
	[tilespmem:$0x10100] =	vst v63  }
0x78: {  	_ =	swait.ge [sflag:s19], $0x8000  }
0x79: {  	[sflag:s19] =	ssyncset.done $0x0  }
0x7a: {  	s21 =	rddreg [dreg:$0x4];
	[sflag:s19] =	ssyncadd.s32 $0xFFFF8000  }
0x7b: {  	[hbm4b:s21+s1] =	stream.linear.scatter [tilespmem:s26], [sflag:$0x3], $0x8000, $0x38;
	[tilespmem:$0x10100] =	vst v63  }
0x7c: {  	_ =	swait.ge [sflag:s8], $0x8000  }
0x7d: {  	[sflag:s8] =	ssyncset.done $0x0  }
0x7e: {  	s21 =	rddreg [dreg:$0x5];
	[sflag:s8] =	ssyncadd.s32 $0xFFFF8000  }
0x7f: {  	[tilespmem:s1], [sflag:$0x3] =	stream.linear.gather [hbm4b:s21+s1], $0x20, $0x38;
	[tilespmem:$0x10100] =	vst v63  }
0x80: {  	_ =	swait.ge [sflag:s8], $0x20  }
0x81: {  	[sflag:s8] =	ssyncset.done $0x0  }
0x82: {  	[sflag:s8] =	ssyncadd.s32 $0xFFFFFFE0  }
0x83: {  	v3 =	vld [tilespmem:$0x0];
	_ =	sdelay $0x4  }
0x84: {  	v60 =	vshll.u32 v3, $0x3  }
0x85: {  	v3 =	vand.u32 $0x7, v3;
	v4 =	vand.u32 $0xFFFFFFC0, v60  }
0x86: {  	v3 =	vor.u32 v3, v4  }
0x87: {  	v4 =	vperm.xlane v3, v0;
	_ =	sdelay $0x1  }
0x88: {  	v4 =	vadd.s32 v1, v4;
	_ =	sdelay $0x4  }
0x89: {  	[tilespmem:s26], [sflag:$0x1] =	stream.indirect_vreg.gather [hbm4b:s3+s1], $0x80, v4, vm0, $0xb8;
	[tilespmem:$0x10100] =	vst v63  }
0x8a: {  	v3 =	vperm.xlane v3, v2  }
0x8b: {  	[tilespmem:s22], [sflag:$0x1] =	stream.indirect_vreg.gather [hbm4b:s4+s1], $0x80, v4, vm0, $0xb8;
	[tilespmem:$0x10100] =	vst v63  }
0x8c: {  	v3 =	vadd.s32 v1, v3  }
0x8d: {  	[tilespmem:s23], [sflag:$0x1] =	stream.indirect_vreg.gather [hbm4b:s5+s1], $0x80, v4, vm0, $0xb8;
	[tilespmem:$0x10100] =	vst v63  }
0x8e: {  	_ = 	snop  }
0x8f: {  	[tilespmem:s24], [sflag:$0x1] =	stream.indirect_vreg.gather [hbm4b:s6+s1], $0x80, v4, vm0, $0xb8;
	[tilespmem:$0x10100] =	vst v63  }
0x90: {  	_ = 	snop  }
0x91: {  	[tilespmem:s25], [sflag:$0x1] =	stream.indirect_vreg.gather [hbm4b:s3+s1], $0x80, v3, vm0, $0xb8;
	[tilespmem:$0x10100] =	vst v63  }
0x92: {  	_ = 	snop  }
0x93: {  	[tilespmem:s28], [sflag:$0x1] =	stream.indirect_vreg.gather [hbm4b:s4+s1], $0x80, v3, vm0, $0xb8;
	[tilespmem:$0x10100] =	vst v63  }
0x94: {  	_ = 	snop  }
0x95: {  	[tilespmem:s29], [sflag:$0x1] =	stream.indirect_vreg.gather [hbm4b:s5+s1], $0x80, v3, vm0, $0xb8;
	[tilespmem:$0x10100] =	vst v63  }
0x96: {  	_ = 	snop  }
0x97: {  	[tilespmem:s30], [sflag:$0x1] =	stream.indirect_vreg.gather [hbm4b:s6+s1], $0x80, v3, vm0, $0xb8;
	[tilespmem:$0x10100] =	vst v63  }
0x98: {  	v3 =	vld [tilespmem:$0x10];
	_ =	sdelay $0x4  }
0x99: {  	v61 =	vshll.u32 v3, $0x3  }
0x9a: {  	v3 =	vand.u32 $0x7, v3;
	v4 =	vand.u32 $0xFFFFFFC0, v61  }
0x9b: {  	v3 =	vor.u32 v3, v4  }
0x9c: {  	v4 =	vperm.xlane v3, v0;
	_ =	sdelay $0x1  }
0x9d: {  	v4 =	vadd.s32 v1, v4;
	_ =	sdelay $0x4  }
0x9e: {  	[tilespmem:s31], [sflag:$0x1] =	stream.indirect_vreg.gather [hbm4b:s3+s1], $0x80, v4, vm0, $0xb8;
	[tilespmem:$0x10100] =	vst v63  }
0x9f: {  	v3 =	vperm.xlane v3, v2  }
0xa0: {  	[tilespmem:s9], [sflag:$0x1] =	stream.indirect_vreg.gather [hbm4b:s4+s1], $0x80, v4, vm0, $0xb8;
	[tilespmem:$0x10100] =	vst v63  }
0xa1: {  	v3 =	vadd.s32 v1, v3  }
0xa2: {  	[tilespmem:s2], [sflag:$0x1] =	stream.indirect_vreg.gather [hbm4b:s5+s1], $0x80, v4, vm0, $0xb8;
	[tilespmem:$0x10100] =	vst v63  }
0xa3: {  	_ = 	snop  }
0xa4: {  	[tilespmem:s10], [sflag:$0x1] =	stream.indirect_vreg.gather [hbm4b:s6+s1], $0x80, v4, vm0, $0xb8;
	[tilespmem:$0x10100] =	vst v63  }
0xa5: {  	_ = 	snop  }
0xa6: {  	[tilespmem:s11], [sflag:$0x1] =	stream.indirect_vreg.gather [hbm4b:s3+s1], $0x80, v3, vm0, $0xb8;
	[tilespmem:$0x10100] =	vst v63  }
0xa7: {  	_ = 	snop  }
0xa8: {  	[tilespmem:s12], [sflag:$0x1] =	stream.indirect_vreg.gather [hbm4b:s4+s1], $0x80, v3, vm0, $0xb8;
	[tilespmem:$0x10100] =	vst v63  }
0xa9: {  	_ = 	snop  }
0xaa: {  	[tilespmem:s13], [sflag:$0x1] =	stream.indirect_vreg.gather [hbm4b:s5+s1], $0x80, v3, vm0, $0xb8;
	[tilespmem:$0x10100] =	vst v63  }
0xab: {  	_ = 	snop  }
0xac: {  	[tilespmem:s14], [sflag:$0x1] =	stream.indirect_vreg.gather [hbm4b:s6+s1], $0x80, v3, vm0, $0xb8;
	[tilespmem:$0x10100] =	vst v63  }
0xad: {  	_ =	swait.ge [sflag:s20], $0x8000  }
0xae: {  	[sflag:s20] =	ssyncset.done $0x0  }
0xaf: {  	s2 =	rddreg [dreg:$0x6];
	[sflag:s20] =	ssyncadd.s32 $0xFFFF8000  }
0xb0: {  	[hbm4b:s2+s1] =	stream.linear.scatter [tilespmem:s0], [sflag:$0x3], $0x8000, $0x38;
	[tilespmem:$0x10100] =	vst v63  }
0xb1: {  	_ =	swait.ge [sflag:s8], $0x8000  }
0xb2: {  	[sflag:s8] =	ssyncset.done $0x0  }
0xb3: {  	s2 =	rddreg [dreg:$0x7];
	[sflag:s8] =	ssyncadd.s32 $0xFFFF8000  }
0xb4: {  	[tilespmem:s15], [sflag:$0x3] =	stream.linear.gather [hbm4b:s2+s1], $0x20, $0x38;
	[tilespmem:$0x10100] =	vst v63  }
0xb5: {  	_ =	swait.ge [sflag:s8], $0x20  }
0xb6: {  	[sflag:s8] =	ssyncset.done $0x0  }
0xb7: {  	[sflag:s8] =	ssyncadd.s32 $0xFFFFFFE0  }
0xb8: {  	v3 =	vld [tilespmem:$0x80];
	_ =	sdelay $0x4  }
0xb9: {  	v62 =	vshll.u32 v3, $0x3  }
0xba: {  	v3 =	vand.u32 $0x7, v3;
	v4 =	vand.u32 $0xFFFFFFC0, v62  }
0xbb: {  	v3 =	vor.u32 v3, v4  }
0xbc: {  	v4 =	vperm.xlane v3, v0;
	_ =	sdelay $0x1  }
0xbd: {  	v4 =	vadd.s32 v1, v4;
	_ =	sdelay $0x4  }
0xbe: {  	[tilespmem:s0], [sflag:$0x2] =	stream.indirect_vreg.gather [hbm4b:s3+s1], $0x80, v4, vm0, $0xb8;
	[tilespmem:$0x10100] =	vst v63  }
0xbf: {  	v3 =	vperm.xlane v3, v2  }
0xc0: {  	[tilespmem:s16], [sflag:$0x2] =	stream.indirect_vreg.gather [hbm4b:s4+s1], $0x80, v4, vm0, $0xb8;
	[tilespmem:$0x10100] =	vst v63  }
0xc1: {  	v3 =	vadd.s32 v1, v3  }
0xc2: {  	[tilespmem:s17], [sflag:$0x2] =	stream.indirect_vreg.gather [hbm4b:s5+s1], $0x80, v4, vm0, $0xb8;
	[tilespmem:$0x10100] =	vst v63  }
0xc3: {  	_ = 	snop  }
0xc4: {  	[tilespmem:s18], [sflag:$0x2] =	stream.indirect_vreg.gather [hbm4b:s6+s1], $0x80, v4, vm0, $0xb8;
	[tilespmem:$0x10100] =	vst v63  }
0xc5: {  	s21 =	simm.s32 $0xA100  }
0xc6: {  	[tilespmem:s21], [sflag:$0x2] =	stream.indirect_vreg.gather [hbm4b:s3+s1], $0x80, v3, vm0, $0xb8;
	[tilespmem:$0x10100] =	vst v63  }
0xc7: {  	s21 =	simm.s32 $0xA900  }
0xc8: {  	[tilespmem:s21], [sflag:$0x2] =	stream.indirect_vreg.gather [hbm4b:s4+s1], $0x80, v3, vm0, $0xb8;
	[tilespmem:$0x10100] =	vst v63  }
0xc9: {  	s21 =	simm.s32 $0xB100  }
0xca: {  	[tilespmem:s21], [sflag:$0x2] =	stream.indirect_vreg.gather [hbm4b:s5+s1], $0x80, v3, vm0, $0xb8;
	[tilespmem:$0x10100] =	vst v63  }
0xcb: {  	s21 =	simm.s32 $0xB900  }
0xcc: {  	[tilespmem:s21], [sflag:$0x2] =	stream.indirect_vreg.gather [hbm4b:s6+s1], $0x80, v3, vm0, $0xb8;
	[tilespmem:$0x10100] =	vst v63  }
0xcd: {  	v3 =	vld [tilespmem:$0x90];
	_ =	sdelay $0x4  }
0xce: {  	v63 =	vshll.u32 v3, $0x3  }
0xcf: {  	v3 =	vand.u32 $0x7, v3;
	v4 =	vand.u32 $0xFFFFFFC0, v63  }
0xd0: {  	v3 =	vor.u32 v3, v4  }
0xd1: {  	v4 =	vperm.xlane v3, v0;
	_ =	sdelay $0x1  }
0xd2: {  	v4 =	vadd.s32 v1, v4;
	_ =	sdelay $0x3  }
0xd3: {  	s21 =	simm.s32 $0xC100  }
0xd4: {  	[tilespmem:s21], [sflag:$0x2] =	stream.indirect_vreg.gather [hbm4b:s3+s1], $0x80, v4, vm0, $0xb8;
	[tilespmem:$0x10100] =	vst v63  }
0xd5: {  	v3 =	vperm.xlane v3, v2;
	s21 =	simm.s32 $0xC900  }
0xd6: {  	[tilespmem:s21], [sflag:$0x2] =	stream.indirect_vreg.gather [hbm4b:s4+s1], $0x80, v4, vm0, $0xb8;
	[tilespmem:$0x10100] =	vst v63  }
0xd7: {  	v3 =	vadd.s32 v1, v3;
	s21 =	simm.s32 $0xD100  }
0xd8: {  	[tilespmem:s21], [sflag:$0x2] =	stream.indirect_vreg.gather [hbm4b:s5+s1], $0x80, v4, vm0, $0xb8;
	[tilespmem:$0x10100] =	vst v63  }
0xd9: {  	s21 =	simm.s32 $0xD900  }
0xda: {  	[tilespmem:s21], [sflag:$0x2] =	stream.indirect_vreg.gather [hbm4b:s6+s1], $0x80, v4, vm0, $0xb8;
	[tilespmem:$0x10100] =	vst v63  }
0xdb: {  	s21 =	simm.s32 $0xE100  }
0xdc: {  	[tilespmem:s21], [sflag:$0x2] =	stream.indirect_vreg.gather [hbm4b:s3+s1], $0x80, v3, vm0, $0xb8;
	[tilespmem:$0x10100] =	vst v63  }
0xdd: {  	s21 =	simm.s32 $0xE900  }
0xde: {  	[tilespmem:s21], [sflag:$0x2] =	stream.indirect_vreg.gather [hbm4b:s4+s1], $0x80, v3, vm0, $0xb8;
	[tilespmem:$0x10100] =	vst v63  }
0xdf: {  	s21 =	simm.s32 $0xF100  }
0xe0: {  	[tilespmem:s21], [sflag:$0x2] =	stream.indirect_vreg.gather [hbm4b:s5+s1], $0x80, v3, vm0, $0xb8;
	[tilespmem:$0x10100] =	vst v63  }
0xe1: {  	s21 =	simm.s32 $0xF900  }
0xe2: {  	[tilespmem:s21], [sflag:$0x2] =	stream.indirect_vreg.gather [hbm4b:s6+s1], $0x80, v3, vm0, $0xb8;
	[tilespmem:$0x10100] =	vst v63  }
0xe3: {  	_ =	swait.ge [sflag:s19], $0x8000  }
0xe4: {  	[sflag:s19] =	ssyncset.done $0x0  }
0xe5: {  	s2 =	rddreg [dreg:$0x8];
	[sflag:s19] =	ssyncadd.s32 $0xFFFF8000  }
0xe6: {  	[hbm4b:s2+s1] =	stream.linear.scatter [tilespmem:s26], [sflag:$0x3], $0x8000, $0x38;
	[tilespmem:$0x10100] =	vst v63  }
0xe7: {  	_ =	swait.ge [sflag:s8], $0x8000  }
0xe8: {  	[sflag:s8] =	ssyncset.done $0x0  }
0xe9: {  	[sflag:s8] =	ssyncadd.s32 $0xFFFF8000  }
0xea: {  	_ =	swait.ge [sflag:s20], $0x8000  }
0xeb: {  	p0 =	sne.s32 s7, $0x1;
	[sflag:s20] =	ssyncset.done $0x0  }
.Ltmp0:
0xec: {  	s2 =	rddreg [dreg:$0x9];
	[sflag:s20] =	ssyncadd.s32 $0xFFFF8000;
	(pc) =	sbr.rel @p0 .LBB2_1-.Ltmp0, $4  }
0xed: {  	[hbm4b:s2+s1] =	stream.linear.scatter [tilespmem:s0], [sflag:$0x3], $0x8000, $0x38;
	[tilespmem:$0x10100] =	vst v63  }
0xee: {  	_ =	swait.ge [sflag:s8], $0x8000  }
0xef: {  	[sflag:s8] =	ssyncset.done $0x0  }
0xf0: {  	s7 =	sadd.s32 $0xFFFFFFFF, s7;
	[sflag:s8] =	ssyncadd.s32 $0xFFFF8000  }
0xf1: {  	_ =	sfence.sel $0x180000  }
0xf2: {  	[bflag:$0x0] =	sbarrier.arrive $0xFFFF  }
0xf3: {  	_ =	strace $0x9000004A  }
0xf4: {  	s0 =	stileid.u32;
	[bflag:$0x2] =	sbarrier.arrive $0xFFFF  }
0xf5: {  	p0 =	sne.s32 s0, $0x0;
	s0 =	rddreg [dreg:$0x1]  }
0xf6: {  	s0 =	sadd.s32 @!p0 $0x100000, s0  }
0xf7: {  	[sflag:s0] =	ssyncadd.tile.s32 @!p0 $0x1;
	_ =	shalt  }
.Lfunc_end2:
_tile_overlayer_lowered:
.L_overlay_start_2:
0xf8: {  	(tag) =	ssettag $0x2  }
0xf9: {  	s0 =	rddreg [dreg:$0x0];
	s2 =	stileid.u32  }
0xfa: {  	s1 =	rddreg [dreg:$0x1];
	p0 =	sne.s32 s2, $0x0  }
0xfb: {  	s3 =	rddreg [dreg:$0x2];
	[bflag:$0x3] =	sbarrier.arrive $0xFFFF;
	s2 =	simm.s32 @!p0 $0x1C03  }
0xfc: {  	[timem:s3], [sflag:s2] =	dma.local @!p0 [hbm:s0], s1  }
0xfd: {  	s0 =	simm.s32 @!p0 $0x3  }
0xfe: {  	_ =	swait.ge @!p0 [sflag:s0], s1  }
0xff: {  	s1 =	ssub.s32 @!p0 $0x0, s1;
	[sflag:s0] =	ssyncset.done @!p0 $0x0  }
0x100: {  	[sflag:s0] =	ssyncadd.s32 @!p0 s1  }
0x101: {  	[bflag:$0x3] =	sbarrier.arrive $0xFFFF  }
0x102: {  	_ =	shalt  }

// kernel: kernel.7.cloned.1.call-start
scs
__scs_entry_jumppad:
0x0: {  	(pc) =	sbr.rel $0x88, $3  }
0x1: {  	(tag) =	ssettag $0x0;
	lr =	simm.s32 $0x1  }
0x2: {  	[smem:$0x3F98] =	sst lr;
	_ =	strace $0xD0000000  }
0x3: {  	_ = 	snop  }
0x4: {  	_ = 	snop  }
0x5: {  	_ = 	snop  }
0x6: {  	_ = 	snop  }
0x7: {  	_ = 	snop  }
__scs_overlays_trampoline_lowered:
0x8: {  	[smem:$0x3FA7] =	sst s0  }
0x9: {  	[smem:$0x3FA8] =	sst s1  }
0xa: {  	[smem:$0x3FA9] =	sst s2  }
0xb: {  	[smem:$0x3FAA] =	sst s3  }
0xc: {  	[smem:$0x3FAB] =	sst s4  }
0xd: {  	[smem:$0x3FAC] =	sst s5  }
0xe: {  	[smem:$0x3FAD] =	sst s6  }
0xf: {  	[smem:$0x3FAE] =	sst s7  }
0x10: {  	[smem:$0x3FAF] =	sst s8  }
0x11: {  	[smem:$0x3FB0] =	sst s9;
	s0 =	simm.s32 @!p0 $0x0  }
0x12: {  	s1 =	sld [smem:$0x3F96];
	s0 =	simm.s32 @p0 $0x1  }
0x13: {  	[smem:$0x3FB1] =	sst s0;
	s0 =	simm.s32 @!p1 $0x0  }
0x14: {  	s2 =	sld [smem:$0x3F95];
	s0 =	simm.s32 @p1 $0x1  }
0x15: {  	[smem:$0x3FB2] =	sst s0;
	s0 =	simm.s32 @!p2 $0x0  }
0x16: {  	s3 =	sld [smem:$0x3FDB];
	s0 =	simm.s32 @p2 $0x1  }
0x17: {  	s4 =	simm.s32 $0x1BF5;
	[smem:$0x3FB4] =	sst s0  }
0x18: {  	s0 =	sld [smem:$0x3F97];
	_ =	swait.ge [sflag:s4], $0x0  }
0x19: {  	s7 =	sld [smem:$0x3F98]  }
0x1a: {  	s8 =	sadd.s32 $0xFFFFE003, lr  }
0x1b: {  	s9 =	sadd.s32 $0xFFFFFEF7, lr;
	s5 =	simm.s32 $0xFFFFFFFF;
	p2 =	slt.u32 s8, $0xFFFFF086  }
0x1c: {  	p1 =	slt.u32 s9, $0xF7A;
	s5 =	simm.s32 @!p2 $0x0  }
0x1d: {  	s5 =	simm.s32 @p1 $0x1;
	p0 =	seq.s32 s7, s2  }
0x1e: {  	s7 =	smul.u32 @!p0 $0xF7A, s2;
	p2 =	seq.s32 @!p0 s5, $0x0  }
0x1f: {  	s9 =	smul.u32 $0xF7A, s1;
	s8 =	simm.s32 @!p0 $0x1BF5;
	p2 =	por !p2, p0  }
0x20: {  	[sflag:s8] =	ssyncset.s32 @!p0 $0xFFFFF086;
	s6 =	sadd.s32 @!p0 s3, s7;
	s7 =	simm.s32 @!p0 $0x108  }
0x21: {  	s3 =	sadd.s32 s3, s9;
	s6 =	sadd.s32 @!p0 $0x88, s6;
	s7 =	simm.s32 @p2 $0x1082  }
0x22: {  	[simem:s7], [sflag:s8] =	dma.local @!p0 [hbm:s6], $0xF7A  }
0x23: {  	s9 =	sor.u32 $0xD0000000, s2;
	s6 =	simm.s32 $0x108;
	_ =	swait.ge @!p0 [sflag:s8], $0x0  }
0x24: {  	s3 =	sadd.s32 $0x88, s3;
	s6 =	simm.s32 @!p1 $0x1082;
	[sflag:s4] =	ssyncset.s32 $0xFFFFF086  }
0x25: {  	[simem:s6], [sflag:s4] =	dma.local [hbm:s3], $0xF7A  }
0x26: {  	[smem:$0x3F98] =	sst s1;
	(tag) =	ssettag s2;
	_ =	strace s9  }
0x27: {  	s1 =	sld [smem:$0x3FA8]  }
0x28: {  	s2 =	sld [smem:$0x3FA9]  }
0x29: {  	s4 =	sld [smem:$0x3FAB]  }
0x2a: {  	p0 =	seq.s32 s5, $0x0;
	s5 =	sld [smem:$0x3FAC]  }
0x2b: {  	s6 =	sld [smem:$0x3FAD]  }
0x2c: {  	s7 =	sld [smem:$0x3FAE]  }
0x2d: {  	s3 =	simm.s32 $0x108;
	s8 =	sld [smem:$0x3FAF]  }
0x2e: {  	s3 =	simm.s32 @!p0 $0x1082;
	s9 =	sld [smem:$0x3FB0]  }
0x2f: {  	lr =	sadd.s32 s0, s3;
	s0 =	sld [smem:$0x3FA7]  }
0x30: {  	s3 =	sld [smem:$0x3FAA]  }
0x31: {  	[smem:$0x3FB3] =	sst s10  }
0x32: {  	s10 =	sld [smem:$0x3FB1];
	_ =	sdelay $0x3  }
0x33: {  	p0 =	seq.s32 s10, $0x1;
	s10 =	sld [smem:$0x3FB3];
	_ =	sdelay $0x3  }
0x34: {  	[smem:$0x3FB3] =	sst s10  }
0x35: {  	s10 =	sld [smem:$0x3FB2];
	_ =	sdelay $0x3  }
0x36: {  	p1 =	seq.s32 s10, $0x1;
	s10 =	sld [smem:$0x3FB3];
	_ =	sdelay $0x3  }
0x37: {  	[smem:$0x3FB3] =	sst s10  }
0x38: {  	s10 =	sld [smem:$0x3FB4]  }
0x39: {  	_ = 	snop;
	(pc) =	sbr.ind lr, $3  }
0x3a: {  	_ = 	snop  }
0x3b: {  	_ = 	snop  }
0x3c: {  	p2 =	seq.s32 s10, $0x1;
	s10 =	sld [smem:$0x3FB3]  }
0x3d: {  	_ =	shalt  }
0x3e: {  	_ =	shalt  }
0x3f: {  	_ =	shalt  }
0x40: {  	_ =	shalt  }
0x41: {  	_ =	shalt  }
0x42: {  	_ =	shalt  }
0x43: {  	_ =	shalt  }
0x44: {  	_ =	shalt  }
0x45: {  	_ =	shalt  }
0x46: {  	_ =	shalt  }
0x47: {  	_ =	shalt  }
0x48: {  	_ =	shalt  }
0x49: {  	_ =	shalt  }
0x4a: {  	_ =	shalt  }
0x4b: {  	_ =	shalt  }
0x4c: {  	_ =	shalt  }
0x4d: {  	_ =	shalt  }
0x4e: {  	_ =	shalt  }
0x4f: {  	_ =	shalt  }
0x50: {  	_ =	shalt  }
0x51: {  	_ =	shalt  }
0x52: {  	_ =	shalt  }
0x53: {  	_ =	shalt  }
0x54: {  	_ =	shalt  }
0x55: {  	_ =	shalt  }
0x56: {  	_ =	shalt  }
0x57: {  	_ =	shalt  }
0x58: {  	_ =	shalt  }
0x59: {  	_ =	shalt  }
0x5a: {  	_ =	shalt  }
0x5b: {  	_ =	shalt  }
0x5c: {  	_ =	shalt  }
0x5d: {  	_ =	shalt  }
0x5e: {  	_ =	shalt  }
0x5f: {  	_ =	shalt  }
0x60: {  	_ =	shalt  }
0x61: {  	_ =	shalt  }
0x62: {  	_ =	shalt  }
0x63: {  	_ =	shalt  }
0x64: {  	_ =	shalt  }
0x65: {  	_ =	shalt  }
0x66: {  	_ =	shalt  }
0x67: {  	_ =	shalt  }
0x68: {  	_ =	shalt  }
0x69: {  	_ =	shalt  }
0x6a: {  	_ =	shalt  }
0x6b: {  	_ =	shalt  }
0x6c: {  	_ =	shalt  }
0x6d: {  	_ =	shalt  }
0x6e: {  	_ =	shalt  }
0x6f: {  	_ =	shalt  }
0x70: {  	_ =	shalt  }
0x71: {  	_ =	shalt  }
0x72: {  	_ =	shalt  }
0x73: {  	_ =	shalt  }
0x74: {  	_ =	shalt  }
0x75: {  	_ =	shalt  }
0x76: {  	_ =	shalt  }
0x77: {  	_ =	shalt  }
0x78: {  	_ =	shalt  }
0x79: {  	_ =	shalt  }
0x7a: {  	_ =	shalt  }
0x7b: {  	_ =	shalt  }
0x7c: {  	_ =	shalt  }
0x7d: {  	_ =	shalt  }
0x7e: {  	_ =	shalt  }
0x7f: {  	_ =	shalt  }
0x80: {  	_ =	shalt  }
0x81: {  	_ =	shalt  }
0x82: {  	_ =	shalt  }
0x83: {  	_ =	shalt  }
0x84: {  	_ =	shalt  }
0x85: {  	_ =	shalt  }
0x86: {  	_ =	shalt  }
0x87: {  	_ =	shalt  }
.Lfunc_end0:
.L_simem_size_0:
called_computation_lowered:
.L_overlay_start_0:
0x88: {  	s2 =	sld [smem:$0x3FD9]  }
0x89: {  	s3 =	sld [smem:$0x3FFE];
	_ =	sdelay $0x1  }
0x8a: {  	s1 =	srdreg.scid  }
0x8b: {  	s0 =	sand.u32 $0x1, s1  }
0x8c: {  	s17 =	sshll.u32 s0, $0xA;
	s2 =	sadd.s32 s3, s2  }
0x8d: {  	s2 =	sadd.s32 s2, s17  }
0x8e: {  	[smem:$0x3FBF] =	sst s2  }
0x8f: {  	_ = 	snop  }
0x90: {  	s2 =	sld [smem:$0x3FC9]  }
0x91: {  	s18 =	sld [smem:$0x3FD0];
	(tm) =	ssettm $0x1  }
0x92: {  	s4 =	sld [smem:$0x3FFB];
	_ =	sdelay $0x3  }
0x93: {  	_ =	strace s4  }
0x94: {  	s4 =	sld [smem:$0x3FFC];
	_ =	sdelay $0x3  }
0x95: {  	_ =	strace s4  }
0x96: {  	s4 =	sld [smem:$0x3FFD];
	_ =	sdelay $0x3  }
0x97: {  	_ =	strace s4  }
0x98: {  	_ =	strace $0x8FFFFFFF  }
0x99: {  	s19 =	sld [smem:$0x3FDB];
	_ =	sdelay $0x1  }
0x9a: {  	s5 =	simm.s32 $_scs_section_size  }
0x9b: {  	s6 =	simm.s32 $_size__tile_overlayer_lowered;
	s7 =	simm.s32 $_tile_overlayer_lowered  }
0x9c: {  	s22 =	simm.s32 $0x1BFF;
	s21 =	sshll.u32 s7, $0x1;
	s4 =	sadd.s32 s5, s19  }
0x9d: {  	s8 =	simm.s32 $0x0;
	s20 =	sshll.u32 s6, $0x1;
	s6 =	sadd.s32 s21, s4  }
0x9e: {  	[timem:s8], [sflag:s22] =	dma.local [hbm:s6], s20  }
0x9f: {  	_ =	swait.ge [sflag:s22], s20  }
0xa0: {  	s5 =	ssub.s32 $0x0, s20;
	[sflag:s22] =	ssyncset.done $0x0  }
0xa1: {  	[sflag:s22] =	ssyncadd.s32 s5;
	_ =	sdelay $0x1  }
0xa2: {  	s23 =	simm.s32 $0x1B8B  }
0xa3: {  	_ =	swait.ge [sflag:s23], $0x1  }
0xa4: {  	[sflag:s23] =	ssyncset.done $0x0  }
0xa5: {  	s25 =	simm.s32 $0x1B8E;
	s24 =	sld [smem:$0x3FFE];
	[sflag:s23] =	ssyncadd.s32 $0xFFFFFFFF  }
0xa6: {  	s26 =	simm.s32 $execute0_lowered;
	[smem:$0x3FD2] =	sst s25  }
0xa7: {  	s6 =	sshll.u32 s26, $0x1;
	_ =	strace $0x80000046;
	[dreg:$0x1] =	wrdreg $0xFFFFFFFF  }
0xa8: {  	s28 =	simm.s32 $_size_execute0_lowered;
	s4 =	sadd.s32 s4, s6;
	[dreg:$0x0] =	wrdreg $0x0  }
0xa9: {  	s6 =	sshll.u32 s28, $0x1;
	[dreg:$0x2] =	wrdreg s4  }
0xaa: {  	[dreg:$0x3] =	wrdreg s6  }
0xab: {  	[dreg:$0x4] =	wrdreg $0xC0  }
0xac: {  	_ =	task [dreg:s8], $0x5FFFF  }
0xad: {  	[dreg:$0x1] =	wrdreg $0xFFFFFFFF  }
0xae: {  	[dreg:$0x0] =	wrdreg $0x60  }
0xaf: {  	[dreg:$0x2] =	wrdreg s2  }
0xb0: {  	[dreg:$0x3] =	wrdreg s24  }
0xb1: {  	[dreg:$0x4] =	wrdreg s18  }
0xb2: {  	[dreg:$0x5] =	wrdreg $0x9  }
0xb3: {  	_ =	task.clear_ibuf [dreg:s8], $0x6FFFF;
	_ =	strace $0x90000046  }
0xb4: {  	s29 =	simm.s32 $0x9;
	_ =	strace $0x80000048  }
0xb5: {  	_ =	swait.ge [sflag:s29], $0x1  }
0xb6: {  	[sflag:s29] =	ssyncadd.s32 $0xFFFFFFFF  }
0xb7: {  	_ =	strace $0x90000048  }
0xb8: {  	_ =	sfence  }
0xb9: {  	s30 =	sld [smem:$0x0];
	_ =	sdelay $0x2  }
0xba: {  	s31 =	sshll.u32 s1, $0xD;
	s1 =	sshrl.u32 s1, $0x2  }
0xbb: {  	s3 =	sand.u32 $0x4000, s31;
	s1 =	sadd.s32 s1, s30  }
0xbc: {  	s0 =	sor.u32 s3, s0;
	s1 =	sshll.u32 s1, $0x11  }
0xbd: {  	s0 =	sor.u32 s1, s0  }
0xbe: {  	s0 =	sadd.s32 $0x8F2B, s0  }
0xbf: {  	[sflag:s0] =	ssyncadd.remote.s32 $0x1  }
0xc0: {  	_ =	sfence.sel $0xFFFF  }
0xc1: {  	[dreg:$0x0] =	wrdreg $0xFFFFFFFF;
	(pc) =	sbr.abs _section_cstart, $3  }
0xc2: {  	[dreg:$0x1] =	wrdreg $0xFFFFFFFF  }
0xc3: {  	_ =	task.clear_ibuf [dreg:s8], $0x2FFFF;
	_ =	strace $0x9FFFFFFF  }
0xc4: {  	(tm) =	ssettm $0x7FFFFFFF  }
0xc5: {  	_ =	shalt  }
tec
execute0_lowered:
.L_overlay_start_1:
0x0: {  	(tag) =	ssettag $0x1  }
0x1: {  	s1 =	rddreg [dreg:$0x0]  }
0x2: {  	s8 =	rddreg [dreg:$0x1]  }
0x3: {  	s0 =	rddreg [dreg:$0x2]  }
0x4: {  	s2 =	srdreg.scid;
	s3 =	stileid.u32  }
0x5: {  	s4 =	simm.s32 $0x0;
	s17 =	simm.s32 $0x3000;
	s13 =	simm.s32 $0x8200  }
0x6: {  	s14 =	simm.s32 $0x8A00;
	s15 =	simm.s32 $0x9200;
	s16 =	simm.s32 $0x9A00  }
0x7: {  	s28 =	simm.s32 $0xBA00;
	s29 =	simm.s32 $0xCA00;
	s2 =	sand.u32 $0x1, s2  }
0x8: {  	s3 =	sshll.u32 s3, $0x1;
	[smem:$0x7FF] =	sst s4;
	s5 =	sadd.s32 $0x400, s8  }
0x9: {  	s18 =	sadd.s32 $0x200, s8;
	s19 =	sadd.s32 $0xA00, s8;
	s9 =	sadd.s32 $0x100, s1  }
0xa: {  	s10 =	sadd.s32 $0x200, s1;
	s11 =	sadd.s32 $0x300, s1;
	s3 =	sor.u32 s2, s3  }
0xb: {  	_ =	strace $0x80000047;
	[dreg:$0x4] =	wrdreg s5;
	s12 =	smul.u32 $0xC0, s3  }
0xc: {  	[dreg:$0x5] =	wrdreg s18;
	s2 =	ssub.s32 $0x2, s2;
	s20 =	smul.u32 $0x30000, s3  }
0xd: {  	s18 =	simm.s32 $0x3;
	s7 =	sshrl.u32 s2, $0x1;
	s22 =	smul.u32 $0x6000, s3  }
0xe: {  	s3 =	simm.s32 $0xF200;
	s2 =	ssub.s32 s2, s7;
	s7 =	simm.s32 $0x7200  }
0xf: {  	s6 =	sshrl.u32 s12, $0x3;
	s23 =	sshrl.u32 s20, $0x3;
	s24 =	sadd.s32 s19, s22  }
0x10: {  	s31 =	smax.u32 s2, $0x1;
	s20 =	simm.s32 $0x5200;
	s22 =	simm.s32 $0xC200  }
0x11: {  	v0 =	vmov s12;
	s12 =	simm.s32 $0xD200;
	s2 =	simm.s32 $0x1;
	s8 =	sadd.s32 s6, s8  }
0x12: {  	s0 =	sadd.s32 s0, s6;
	s25 =	sadd.s32 s19, s23;
	[dreg:$0x8] =	wrdreg s24  }
0x13: {  	s26 =	sadd.s32 $0x1800, s24;
	[dreg:$0xc] =	wrdreg s31;
	s6 =	simm.s32 $0x0  }
0x14: {  	s19 =	simm.s32 $0x4A00;
	s23 =	simm.s32 $0xA200;
	[dreg:$0x6] =	wrdreg s0  }
0x15: {  	s24 =	simm.s32 $0xAA00;
	s21 =	sadd.s32 $0x600, s8;
	[dreg:$0x9] =	wrdreg s26  }
0x16: {  	v4 =	vlaneseq.u32;
	s30 =	sadd.s32 $0x3000, s25;
	s0 =	sadd.s32 $0x4800, s25;
	[dreg:$0x7] =	wrdreg s21  }
0x17: {  	v1 =	vimm.f32 $0.0e+00;
	vm0 =	vmmov $0xffff;
	v3 =	vshrl.u32 v4, $0x3;
	s8 =	simm.s32 $0x7A00;
	s26 =	simm.s32 $0xB200;
	[dreg:$0xa] =	wrdreg s30  }
0x18: {  	v2 =	vand.u32 $0x7, v4;
	v4 =	vor.u32 $0x8, v4;
	v3 =	vmul.u32 $0x8, v3;
	s25 =	simm.s32 $0xDA00;
	[dreg:$0xb] =	wrdreg s0;
	s21 =	simm.s32 $0x3100  }
.LBB2_1:
0x19: {  	s0 =	rddreg [dreg:$0x6]  }
0x1a: {  	[tilespmem:s17], [sflag:$0x3] =	stream.linear.gather [hbm4b:s0+s4], $0xC0, $0x38;
	[tilespmem:$0x1B200] =	vst v63  }
0x1b: {  	_ =	swait.ge [sflag:s18], $0xC0  }
0x1c: {  	[sflag:s18] =	ssyncset.done $0x0  }
0x1d: {  	s30 =	rddreg [dreg:$0x4];
	[sflag:s18] =	ssyncadd.s32 $0xFFFFFF40  }
0x1e: {  	[tilespmem:s4], [sflag:$0x3] =	stream.linear.gather [hbm4b:s30+s4], $0x1000, $0x38;
	[tilespmem:$0x1B200] =	vst v63  }
0x1f: {  	_ =	swait.ge [sflag:s18], $0x1000  }
0x20: {  	[sflag:s18] =	ssyncset.done $0x0  }
0x21: {  	[sflag:s18] =	ssyncadd.s32 $0xFFFFF000  }
0x22: {  	s31 =	simm.s32 $0x1000;
	s5 =	rddreg [dreg:$0x1]  }
0x23: {  	[tilespmem:s31], [sflag:$0x3] =	stream.linear.gather [hbm4b:s5+s4], $0x1000, $0x38;
	[tilespmem:$0x1B200] =	vst v63  }
0x24: {  	_ =	swait.ge [sflag:s18], $0x1000  }
0x25: {  	[sflag:s18] =	ssyncset.done $0x0  }
0x26: {  	s31 =	simm.s32 $0x2000;
	s30 =	rddreg [dreg:$0x5];
	[sflag:s18] =	ssyncadd.s32 $0xFFFFF000  }
0x27: {  	[tilespmem:s31], [sflag:$0x3] =	stream.linear.gather [hbm4b:s30+s4], $0x1000, $0x38;
	[tilespmem:$0x1B200] =	vst v63  }
0x28: {  	_ =	swait.ge [sflag:s18], $0x1000  }
0x29: {  	[sflag:s18] =	ssyncset.done $0x0  }
0x2a: {  	[sflag:s18] =	ssyncadd.s32 $0xFFFFF000  }
0x2b: {  	[tilespmem:$0x3100] =	vst v1  }
0x2c: {  	[tilespmem:$0x3110] =	vst v1  }
0x2d: {  	[tilespmem:$0x3120] =	vst v1  }
0x2e: {  	[tilespmem:$0x3130] =	vst v1  }
0x2f: {  	[tilespmem:$0x3140] =	vst v1  }
0x30: {  	[tilespmem:$0x3150] =	vst v1  }
0x31: {  	[tilespmem:$0x3160] =	vst v1  }
0x32: {  	[tilespmem:$0x3170] =	vst v1  }
0x33: {  	[tilespmem:$0x3180] =	vst v1  }
0x34: {  	[tilespmem:$0x3190] =	vst v1  }
0x35: {  	[tilespmem:$0x31A0] =	vst v1  }
0x36: {  	s0 =	simm.s32 $0x40;
	s31 =	simm.s32 $0x0;
	[tilespmem:$0x31B0] =	vst v1  }
.LBB2_2:
0x37: {  	p0 =	sne.s32 s0, $0x3FC0;
	v5 =	vld [tilespmem:s31+$0x0]  }
0x38: {  	v6 =	vld [tilespmem:s31+$0x1000];
	_ =	sdelay $0x3  }
0x39: {  	v5 =	vsub.s32 v5, v0  }
0x3a: {  	vm1 =	vlt.u32 v5, $0xC0;
	_ =	sdelay $0x5  }
0x3b: {  	[tilespmem:v5+s17+$0x0] =	vst.idx.msk vm1, v6  }
0x3c: {  	v6 =	vld [tilespmem:s31+$0x2000]  }
.Ltmp0:
0x3d: {  	(pc) =	sbr.rel @p0 .LBB2_2-.Ltmp0, $2  }
0x3e: {  	_ =	sdelay $0x2  }
0x3f: {  	s31 =	sshra.s32 s0, $0x2;
	s0 =	sadd.s32 $0x40, s0;
	[tilespmem:v5+s21+$0x0] =	vst.idx.msk vm1, v6  }
0x40: {  	v5 =	vld [tilespmem:s31+$0x0];
	_ =	sdelay $0x4  }
0x41: {  	v5 =	vsub.s32 v5, v0  }
0x42: {  	vm1 =	vlt.u32 v5, $0xC0  }
0x43: {  	v6 =	vld [tilespmem:s31+$0x1000];
	_ =	sdelay $0x4  }
0x44: {  	[tilespmem:v5+s17+$0x0] =	vst.idx.msk vm1, v6  }
0x45: {  	v6 =	vld [tilespmem:s31+$0x2000];
	_ =	sdelay $0x4  }
0x46: {  	s0 =	rddreg [dreg:$0x7];
	[tilespmem:v5+s21+$0x0] =	vst.idx.msk vm1, v6  }
0x47: {  	[hbm4b:s0+s4] =	stream.linear.scatter [tilespmem:s21], [sflag:$0x3], $0xC0, $0x38;
	[tilespmem:$0x1B200] =	vst v63  }
0x48: {  	_ =	swait.ge [sflag:s18], $0xC0  }
0x49: {  	[sflag:s18] =	ssyncset.done $0x0  }
0x4a: {  	[sflag:s18] =	ssyncadd.s32 $0xFFFFFF40  }
0x4b: {  	v5 =	vld [tilespmem:$0x3000];
	_ =	sdelay $0x4  }
0x4c: {  	v6 =	vshll.u32 v5, $0x3  }
0x4d: {  	v5 =	vand.u32 $0x7, v5;
	v6 =	vand.u32 $0xFFFFFFC0, v6  }
0x4e: {  	v5 =	vor.u32 v5, v6  }
0x4f: {  	v6 =	vperm.xlane v5, v2;
	_ =	sdelay $0x1  }
0x50: {  	v6 =	vadd.s32 v3, v6;
	_ =	sdelay $0x3  }
0x51: {  	s5 =	simm.s32 $0x3200  }
0x52: {  	[tilespmem:s5], [sflag:$0x1] =	stream.indirect_vreg.gather [hbm4b:s1+s4], $0x80, v6, vm0, $0xb8;
	[tilespmem:$0x1B200] =	vst v63  }
0x53: {  	s31 =	simm.s32 $0x3A00;
	v5 =	vperm.xlane v5, v4  }
0x54: {  	[tilespmem:s31], [sflag:$0x1] =	stream.indirect_vreg.gather [hbm4b:s9+s4], $0x80, v6, vm0, $0xb8;
	[tilespmem:$0x1B200] =	vst v63  }
0x55: {  	s30 =	simm.s32 $0x4200;
	v5 =	vadd.s32 v3, v5  }
0x56: {  	[tilespmem:s30], [sflag:$0x1] =	stream.indirect_vreg.gather [hbm4b:s10+s4], $0x80, v6, vm0, $0xb8;
	[tilespmem:$0x1B200] =	vst v63  }
0x57: {  	_ = 	snop  }
0x58: {  	[tilespmem:s19], [sflag:$0x1] =	stream.indirect_vreg.gather [hbm4b:s11+s4], $0x80, v6, vm0, $0xb8;
	[tilespmem:$0x1B200] =	vst v63  }
0x59: {  	_ = 	snop  }
0x5a: {  	[tilespmem:s20], [sflag:$0x1] =	stream.indirect_vreg.gather [hbm4b:s1+s4], $0x80, v5, vm0, $0xb8;
	[tilespmem:$0x1B200] =	vst v63  }
0x5b: {  	s5 =	simm.s32 $0x5A00  }
0x5c: {  	[tilespmem:s5], [sflag:$0x1] =	stream.indirect_vreg.gather [hbm4b:s9+s4], $0x80, v5, vm0, $0xb8;
	[tilespmem:$0x1B200] =	vst v63  }
0x5d: {  	s5 =	simm.s32 $0x6200  }
0x5e: {  	[tilespmem:s5], [sflag:$0x1] =	stream.indirect_vreg.gather [hbm4b:s10+s4], $0x80, v5, vm0, $0xb8;
	[tilespmem:$0x1B200] =	vst v63  }
0x5f: {  	s30 =	simm.s32 $0x6A00  }
0x60: {  	[tilespmem:s30], [sflag:$0x1] =	stream.indirect_vreg.gather [hbm4b:s11+s4], $0x80, v5, vm0, $0xb8;
	[tilespmem:$0x1B200] =	vst v63  }
0x61: {  	v5 =	vld [tilespmem:$0x3010];
	_ =	sdelay $0x4  }
0x62: {  	v6 =	vshll.u32 v5, $0x3  }
0x63: {  	v5 =	vand.u32 $0x7, v5;
	v6 =	vand.u32 $0xFFFFFFC0, v6  }
0x64: {  	v5 =	vor.u32 v5, v6  }
0x65: {  	v6 =	vperm.xlane v5, v2;
	_ =	sdelay $0x1  }
0x66: {  	v6 =	vadd.s32 v3, v6;
	_ =	sdelay $0x4  }
0x67: {  	[tilespmem:s7], [sflag:$0x1] =	stream.indirect_vreg.gather [hbm4b:s1+s4], $0x80, v6, vm0, $0xb8;
	[tilespmem:$0x1B200] =	vst v63  }
0x68: {  	v5 =	vperm.xlane v5, v4  }
0x69: {  	[tilespmem:s8], [sflag:$0x1] =	stream.indirect_vreg.gather [hbm4b:s9+s4], $0x80, v6, vm0, $0xb8;
	[tilespmem:$0x1B200] =	vst v63  }
0x6a: {  	v5 =	vadd.s32 v3, v5  }
0x6b: {  	[tilespmem:s13], [sflag:$0x1] =	stream.indirect_vreg.gather [hbm4b:s10+s4], $0x80, v6, vm0, $0xb8;
	[tilespmem:$0x1B200] =	vst v63  }
0x6c: {  	_ = 	snop  }
0x6d: {  	[tilespmem:s14], [sflag:$0x1] =	stream.indirect_vreg.gather [hbm4b:s11+s4], $0x80, v6, vm0, $0xb8;
	[tilespmem:$0x1B200] =	vst v63  }
0x6e: {  	_ = 	snop  }
0x6f: {  	[tilespmem:s15], [sflag:$0x1] =	stream.indirect_vreg.gather [hbm4b:s1+s4], $0x80, v5, vm0, $0xb8;
	[tilespmem:$0x1B200] =	vst v63  }
0x70: {  	_ = 	snop  }
0x71: {  	[tilespmem:s16], [sflag:$0x1] =	stream.indirect_vreg.gather [hbm4b:s9+s4], $0x80, v5, vm0, $0xb8;
	[tilespmem:$0x1B200] =	vst v63  }
0x72: {  	_ = 	snop  }
0x73: {  	[tilespmem:s23], [sflag:$0x1] =	stream.indirect_vreg.gather [hbm4b:s10+s4], $0x80, v5, vm0, $0xb8;
	[tilespmem:$0x1B200] =	vst v63  }
0x74: {  	_ = 	snop  }
0x75: {  	[tilespmem:s24], [sflag:$0x1] =	stream.indirect_vreg.gather [hbm4b:s11+s4], $0x80, v5, vm0, $0xb8;
	[tilespmem:$0x1B200] =	vst v63  }
0x76: {  	v5 =	vld [tilespmem:$0x3020];
	_ =	sdelay $0x4  }
0x77: {  	v6 =	vshll.u32 v5, $0x3  }
0x78: {  	v5 =	vand.u32 $0x7, v5;
	v6 =	vand.u32 $0xFFFFFFC0, v6  }
0x79: {  	v5 =	vor.u32 v5, v6  }
0x7a: {  	v6 =	vperm.xlane v5, v2;
	_ =	sdelay $0x1  }
0x7b: {  	v6 =	vadd.s32 v3, v6;
	_ =	sdelay $0x4  }
0x7c: {  	[tilespmem:s26], [sflag:$0x1] =	stream.indirect_vreg.gather [hbm4b:s1+s4], $0x80, v6, vm0, $0xb8;
	[tilespmem:$0x1B200] =	vst v63  }
0x7d: {  	v5 =	vperm.xlane v5, v4  }
0x7e: {  	[tilespmem:s28], [sflag:$0x1] =	stream.indirect_vreg.gather [hbm4b:s9+s4], $0x80, v6, vm0, $0xb8;
	[tilespmem:$0x1B200] =	vst v63  }
0x7f: {  	v5 =	vadd.s32 v3, v5  }
0x80: {  	[tilespmem:s22], [sflag:$0x1] =	stream.indirect_vreg.gather [hbm4b:s10+s4], $0x80, v6, vm0, $0xb8;
	[tilespmem:$0x1B200] =	vst v63  }
0x81: {  	_ = 	snop  }
0x82: {  	[tilespmem:s29], [sflag:$0x1] =	stream.indirect_vreg.gather [hbm4b:s11+s4], $0x80, v6, vm0, $0xb8;
	[tilespmem:$0x1B200] =	vst v63  }
0x83: {  	_ = 	snop  }
0x84: {  	[tilespmem:s12], [sflag:$0x1] =	stream.indirect_vreg.gather [hbm4b:s1+s4], $0x80, v5, vm0, $0xb8;
	[tilespmem:$0x1B200] =	vst v63  }
0x85: {  	_ = 	snop  }
0x86: {  	[tilespmem:s25], [sflag:$0x1] =	stream.indirect_vreg.gather [hbm4b:s9+s4], $0x80, v5, vm0, $0xb8;
	[tilespmem:$0x1B200] =	vst v63  }
0x87: {  	s30 =	simm.s32 $0xE200  }
0x88: {  	[tilespmem:s30], [sflag:$0x1] =	stream.indirect_vreg.gather [hbm4b:s10+s4], $0x80, v5, vm0, $0xb8;
	[tilespmem:$0x1B200] =	vst v63  }
0x89: {  	s30 =	simm.s32 $0xEA00  }
0x8a: {  	[tilespmem:s30], [sflag:$0x1] =	stream.indirect_vreg.gather [hbm4b:s11+s4], $0x80, v5, vm0, $0xb8;
	[tilespmem:$0x1B200] =	vst v63  }
0x8b: {  	v5 =	vld [tilespmem:$0x3030];
	_ =	sdelay $0x4  }
0x8c: {  	v6 =	vshll.u32 v5, $0x3  }
0x8d: {  	v5 =	vand.u32 $0x7, v5;
	v6 =	vand.u32 $0xFFFFFFC0, v6  }
0x8e: {  	v5 =	vor.u32 v5, v6  }
0x8f: {  	v6 =	vperm.xlane v5, v2;
	_ =	sdelay $0x1  }
0x90: {  	v6 =	vadd.s32 v3, v6;
	_ =	sdelay $0x4  }
0x91: {  	[tilespmem:s3], [sflag:$0x2] =	stream.indirect_vreg.gather [hbm4b:s1+s4], $0x80, v6, vm0, $0xb8;
	[tilespmem:$0x1B200] =	vst v63  }
0x92: {  	s30 =	simm.s32 $0xFA00;
	v5 =	vperm.xlane v5, v4  }
0x93: {  	[tilespmem:s30], [sflag:$0x2] =	stream.indirect_vreg.gather [hbm4b:s9+s4], $0x80, v6, vm0, $0xb8;
	[tilespmem:$0x1B200] =	vst v63  }
0x94: {  	v5 =	vadd.s32 v3, v5;
	s30 =	simm.s32 $0x10200  }
0x95: {  	[tilespmem:s30], [sflag:$0x2] =	stream.indirect_vreg.gather [hbm4b:s10+s4], $0x80, v6, vm0, $0xb8;
	[tilespmem:$0x1B200] =	vst v63  }
0x96: {  	s30 =	simm.s32 $0x10A00  }
0x97: {  	[tilespmem:s30], [sflag:$0x2] =	stream.indirect_vreg.gather [hbm4b:s11+s4], $0x80, v6, vm0, $0xb8;
	[tilespmem:$0x1B200] =	vst v63  }
0x98: {  	s30 =	simm.s32 $0x11200  }
0x99: {  	[tilespmem:s30], [sflag:$0x2] =	stream.indirect_vreg.gather [hbm4b:s1+s4], $0x80, v5, vm0, $0xb8;
	[tilespmem:$0x1B200] =	vst v63  }
0x9a: {  	s30 =	simm.s32 $0x11A00  }
0x9b: {  	[tilespmem:s30], [sflag:$0x2] =	stream.indirect_vreg.gather [hbm4b:s9+s4], $0x80, v5, vm0, $0xb8;
	[tilespmem:$0x1B200] =	vst v63  }
0x9c: {  	s30 =	simm.s32 $0x12200  }
0x9d: {  	[tilespmem:s30], [sflag:$0x2] =	stream.indirect_vreg.gather [hbm4b:s10+s4], $0x80, v5, vm0, $0xb8;
	[tilespmem:$0x1B200] =	vst v63  }
0x9e: {  	s30 =	simm.s32 $0x12A00  }
0x9f: {  	[tilespmem:s30], [sflag:$0x2] =	stream.indirect_vreg.gather [hbm4b:s11+s4], $0x80, v5, vm0, $0xb8;
	[tilespmem:$0x1B200] =	vst v63  }
0xa0: {  	v5 =	vld [tilespmem:$0x3040];
	_ =	sdelay $0x4  }
0xa1: {  	v6 =	vshll.u32 v5, $0x3  }
0xa2: {  	v5 =	vand.u32 $0x7, v5;
	v6 =	vand.u32 $0xFFFFFFC0, v6  }
0xa3: {  	v5 =	vor.u32 v5, v6  }
0xa4: {  	v6 =	vperm.xlane v5, v2;
	_ =	sdelay $0x1  }
0xa5: {  	v6 =	vadd.s32 v3, v6;
	_ =	sdelay $0x3  }
0xa6: {  	s30 =	simm.s32 $0x13200  }
0xa7: {  	[tilespmem:s30], [sflag:$0x2] =	stream.indirect_vreg.gather [hbm4b:s1+s4], $0x80, v6, vm0, $0xb8;
	[tilespmem:$0x1B200] =	vst v63  }
0xa8: {  	v5 =	vperm.xlane v5, v4;
	s30 =	simm.s32 $0x13A00  }
0xa9: {  	[tilespmem:s30], [sflag:$0x2] =	stream.indirect_vreg.gather [hbm4b:s9+s4], $0x80, v6, vm0, $0xb8;
	[tilespmem:$0x1B200] =	vst v63  }
0xaa: {  	v5 =	vadd.s32 v3, v5;
	s30 =	simm.s32 $0x14200  }
0xab: {  	[tilespmem:s30], [sflag:$0x2] =	stream.indirect_vreg.gather [hbm4b:s10+s4], $0x80, v6, vm0, $0xb8;
	[tilespmem:$0x1B200] =	vst v63  }
0xac: {  	s30 =	simm.s32 $0x14A00  }
0xad: {  	[tilespmem:s30], [sflag:$0x2] =	stream.indirect_vreg.gather [hbm4b:s11+s4], $0x80, v6, vm0, $0xb8;
	[tilespmem:$0x1B200] =	vst v63  }
0xae: {  	s30 =	simm.s32 $0x15200  }
0xaf: {  	[tilespmem:s30], [sflag:$0x2] =	stream.indirect_vreg.gather [hbm4b:s1+s4], $0x80, v5, vm0, $0xb8;
	[tilespmem:$0x1B200] =	vst v63  }
0xb0: {  	s30 =	simm.s32 $0x15A00  }
0xb1: {  	[tilespmem:s30], [sflag:$0x2] =	stream.indirect_vreg.gather [hbm4b:s9+s4], $0x80, v5, vm0, $0xb8;
	[tilespmem:$0x1B200] =	vst v63  }
0xb2: {  	s30 =	simm.s32 $0x16200  }
0xb3: {  	[tilespmem:s30], [sflag:$0x2] =	stream.indirect_vreg.gather [hbm4b:s10+s4], $0x80, v5, vm0, $0xb8;
	[tilespmem:$0x1B200] =	vst v63  }
0xb4: {  	s30 =	simm.s32 $0x16A00  }
0xb5: {  	[tilespmem:s30], [sflag:$0x2] =	stream.indirect_vreg.gather [hbm4b:s11+s4], $0x80, v5, vm0, $0xb8;
	[tilespmem:$0x1B200] =	vst v63  }
0xb6: {  	v5 =	vld [tilespmem:$0x3050];
	_ =	sdelay $0x4  }
0xb7: {  	v6 =	vshll.u32 v5, $0x3  }
0xb8: {  	v5 =	vand.u32 $0x7, v5;
	v6 =	vand.u32 $0xFFFFFFC0, v6  }
0xb9: {  	v5 =	vor.u32 v5, v6  }
0xba: {  	v6 =	vperm.xlane v5, v2;
	_ =	sdelay $0x1  }
0xbb: {  	v6 =	vadd.s32 v3, v6;
	_ =	sdelay $0x3  }
0xbc: {  	s30 =	simm.s32 $0x17200  }
0xbd: {  	[tilespmem:s30], [sflag:$0x2] =	stream.indirect_vreg.gather [hbm4b:s1+s4], $0x80, v6, vm0, $0xb8;
	[tilespmem:$0x1B200] =	vst v63  }
0xbe: {  	v5 =	vperm.xlane v5, v4;
	s30 =	simm.s32 $0x17A00  }
0xbf: {  	[tilespmem:s30], [sflag:$0x2] =	stream.indirect_vreg.gather [hbm4b:s9+s4], $0x80, v6, vm0, $0xb8;
	[tilespmem:$0x1B200] =	vst v63  }
0xc0: {  	v5 =	vadd.s32 v3, v5;
	s30 =	simm.s32 $0x18200  }
0xc1: {  	[tilespmem:s30], [sflag:$0x2] =	stream.indirect_vreg.gather [hbm4b:s10+s4], $0x80, v6, vm0, $0xb8;
	[tilespmem:$0x1B200] =	vst v63  }
0xc2: {  	s30 =	simm.s32 $0x18A00  }
0xc3: {  	[tilespmem:s30], [sflag:$0x2] =	stream.indirect_vreg.gather [hbm4b:s11+s4], $0x80, v6, vm0, $0xb8;
	[tilespmem:$0x1B200] =	vst v63  }
0xc4: {  	s30 =	simm.s32 $0x19200  }
0xc5: {  	[tilespmem:s30], [sflag:$0x2] =	stream.indirect_vreg.gather [hbm4b:s1+s4], $0x80, v5, vm0, $0xb8;
	[tilespmem:$0x1B200] =	vst v63  }
0xc6: {  	s30 =	simm.s32 $0x19A00  }
0xc7: {  	[tilespmem:s30], [sflag:$0x2] =	stream.indirect_vreg.gather [hbm4b:s9+s4], $0x80, v5, vm0, $0xb8;
	[tilespmem:$0x1B200] =	vst v63  }
0xc8: {  	s30 =	simm.s32 $0x1A200  }
0xc9: {  	[tilespmem:s30], [sflag:$0x2] =	stream.indirect_vreg.gather [hbm4b:s10+s4], $0x80, v5, vm0, $0xb8;
	[tilespmem:$0x1B200] =	vst v63  }
0xca: {  	s30 =	simm.s32 $0x1AA00  }
0xcb: {  	[tilespmem:s30], [sflag:$0x2] =	stream.indirect_vreg.gather [hbm4b:s11+s4], $0x80, v5, vm0, $0xb8;
	[tilespmem:$0x1B200] =	vst v63  }
0xcc: {  	_ =	swait.ge [sflag:s2], $0xC000  }
0xcd: {  	[sflag:s2] =	ssyncset.done $0x0  }
0xce: {  	s30 =	simm.s32 $0x3200;
	s0 =	rddreg [dreg:$0x8];
	[sflag:s2] =	ssyncadd.s32 $0xFFFF4000  }
0xcf: {  	[hbm4b:s0+s4] =	stream.linear.scatter [tilespmem:s30], [sflag:$0x3], $0xC000, $0x38;
	[tilespmem:$0x1B200] =	vst v63  }
0xd0: {  	_ =	swait.ge [sflag:s18], $0xC000  }
0xd1: {  	[sflag:s18] =	ssyncset.done $0x0  }
0xd2: {  	[sflag:s18] =	ssyncadd.s32 $0xFFFF4000  }
0xd3: {  	v5 =	vld [tilespmem:$0x3060];
	_ =	sdelay $0x4  }
0xd4: {  	v6 =	vshll.u32 v5, $0x3  }
0xd5: {  	v5 =	vand.u32 $0x7, v5;
	v6 =	vand.u32 $0xFFFFFFC0, v6  }
0xd6: {  	v5 =	vor.u32 v5, v6  }
0xd7: {  	v6 =	vperm.xlane v5, v2;
	_ =	sdelay $0x1  }
0xd8: {  	v6 =	vadd.s32 v3, v6;
	_ =	sdelay $0x4  }
0xd9: {  	[tilespmem:s30], [sflag:$0x1] =	stream.indirect_vreg.gather [hbm4b:s1+s4], $0x80, v6, vm0, $0xb8;
	[tilespmem:$0x1B200] =	vst v63  }
0xda: {  	v5 =	vperm.xlane v5, v4  }
0xdb: {  	[tilespmem:s31], [sflag:$0x1] =	stream.indirect_vreg.gather [hbm4b:s9+s4], $0x80, v6, vm0, $0xb8;
	[tilespmem:$0x1B200] =	vst v63  }
0xdc: {  	v5 =	vadd.s32 v3, v5;
	s31 =	simm.s32 $0x4200  }
0xdd: {  	[tilespmem:s31], [sflag:$0x1] =	stream.indirect_vreg.gather [hbm4b:s10+s4], $0x80, v6, vm0, $0xb8;
	[tilespmem:$0x1B200] =	vst v63  }
0xde: {  	_ = 	snop  }
0xdf: {  	[tilespmem:s19], [sflag:$0x1] =	stream.indirect_vreg.gather [hbm4b:s11+s4], $0x80, v6, vm0, $0xb8;
	[tilespmem:$0x1B200] =	vst v63  }
0xe0: {  	_ = 	snop  }
0xe1: {  	[tilespmem:s20], [sflag:$0x1] =	stream.indirect_vreg.gather [hbm4b:s1+s4], $0x80, v5, vm0, $0xb8;
	[tilespmem:$0x1B200] =	vst v63  }
0xe2: {  	s31 =	simm.s32 $0x5A00  }
0xe3: {  	[tilespmem:s31], [sflag:$0x1] =	stream.indirect_vreg.gather [hbm4b:s9+s4], $0x80, v5, vm0, $0xb8;
	[tilespmem:$0x1B200] =	vst v63  }
0xe4: {  	_ = 	snop  }
0xe5: {  	[tilespmem:s5], [sflag:$0x1] =	stream.indirect_vreg.gather [hbm4b:s10+s4], $0x80, v5, vm0, $0xb8;
	[tilespmem:$0x1B200] =	vst v63  }
0xe6: {  	s5 =	simm.s32 $0x6A00  }
0xe7: {  	[tilespmem:s5], [sflag:$0x1] =	stream.indirect_vreg.gather [hbm4b:s11+s4], $0x80, v5, vm0, $0xb8;
	[tilespmem:$0x1B200] =	vst v63  }
0xe8: {  	v5 =	vld [tilespmem:$0x3070];
	_ =	sdelay $0x4  }
0xe9: {  	v6 =	vshll.u32 v5, $0x3  }
0xea: {  	v5 =	vand.u32 $0x7, v5;
	v6 =	vand.u32 $0xFFFFFFC0, v6  }
0xeb: {  	v5 =	vor.u32 v5, v6  }
0xec: {  	v6 =	vperm.xlane v5, v2;
	_ =	sdelay $0x1  }
0xed: {  	v6 =	vadd.s32 v3, v6;
	_ =	sdelay $0x4  }
0xee: {  	[tilespmem:s7], [sflag:$0x1] =	stream.indirect_vreg.gather [hbm4b:s1+s4], $0x80, v6, vm0, $0xb8;
	[tilespmem:$0x1B200] =	vst v63  }
0xef: {  	v5 =	vperm.xlane v5, v4  }
0xf0: {  	[tilespmem:s8], [sflag:$0x1] =	stream.indirect_vreg.gather [hbm4b:s9+s4], $0x80, v6, vm0, $0xb8;
	[tilespmem:$0x1B200] =	vst v63  }
0xf1: {  	v5 =	vadd.s32 v3, v5  }
0xf2: {  	[tilespmem:s13], [sflag:$0x1] =	stream.indirect_vreg.gather [hbm4b:s10+s4], $0x80, v6, vm0, $0xb8;
	[tilespmem:$0x1B200] =	vst v63  }
0xf3: {  	_ = 	snop  }
0xf4: {  	[tilespmem:s14], [sflag:$0x1] =	stream.indirect_vreg.gather [hbm4b:s11+s4], $0x80, v6, vm0, $0xb8;
	[tilespmem:$0x1B200] =	vst v63  }
0xf5: {  	_ = 	snop  }
0xf6: {  	[tilespmem:s15], [sflag:$0x1] =	stream.indirect_vreg.gather [hbm4b:s1+s4], $0x80, v5, vm0, $0xb8;
	[tilespmem:$0x1B200] =	vst v63  }
0xf7: {  	_ = 	snop  }
0xf8: {  	[tilespmem:s16], [sflag:$0x1] =	stream.indirect_vreg.gather [hbm4b:s9+s4], $0x80, v5, vm0, $0xb8;
	[tilespmem:$0x1B200] =	vst v63  }
0xf9: {  	_ = 	snop  }
0xfa: {  	[tilespmem:s23], [sflag:$0x1] =	stream.indirect_vreg.gather [hbm4b:s10+s4], $0x80, v5, vm0, $0xb8;
	[tilespmem:$0x1B200] =	vst v63  }
0xfb: {  	_ = 	snop  }
0xfc: {  	[tilespmem:s24], [sflag:$0x1] =	stream.indirect_vreg.gather [hbm4b:s11+s4], $0x80, v5, vm0, $0xb8;
	[tilespmem:$0x1B200] =	vst v63  }
0xfd: {  	v5 =	vld [tilespmem:$0x3080];
	_ =	sdelay $0x4  }
0xfe: {  	v6 =	vshll.u32 v5, $0x3  }
0xff: {  	v5 =	vand.u32 $0x7, v5;
	v6 =	vand.u32 $0xFFFFFFC0, v6  }
0x100: {  	v5 =	vor.u32 v5, v6  }
0x101: {  	v6 =	vperm.xlane v5, v2;
	_ =	sdelay $0x1  }
0x102: {  	v6 =	vadd.s32 v3, v6;
	_ =	sdelay $0x4  }
0x103: {  	[tilespmem:s26], [sflag:$0x1] =	stream.indirect_vreg.gather [hbm4b:s1+s4], $0x80, v6, vm0, $0xb8;
	[tilespmem:$0x1B200] =	vst v63  }
0x104: {  	v5 =	vperm.xlane v5, v4  }
0x105: {  	[tilespmem:s28], [sflag:$0x1] =	stream.indirect_vreg.gather [hbm4b:s9+s4], $0x80, v6, vm0, $0xb8;
	[tilespmem:$0x1B200] =	vst v63  }
0x106: {  	v5 =	vadd.s32 v3, v5  }
0x107: {  	[tilespmem:s22], [sflag:$0x1] =	stream.indirect_vreg.gather [hbm4b:s10+s4], $0x80, v6, vm0, $0xb8;
	[tilespmem:$0x1B200] =	vst v63  }
0x108: {  	_ = 	snop  }
0x109: {  	[tilespmem:s29], [sflag:$0x1] =	stream.indirect_vreg.gather [hbm4b:s11+s4], $0x80, v6, vm0, $0xb8;
	[tilespmem:$0x1B200] =	vst v63  }
0x10a: {  	_ = 	snop  }
0x10b: {  	[tilespmem:s12], [sflag:$0x1] =	stream.indirect_vreg.gather [hbm4b:s1+s4], $0x80, v5, vm0, $0xb8;
	[tilespmem:$0x1B200] =	vst v63  }
0x10c: {  	_ = 	snop  }
0x10d: {  	[tilespmem:s25], [sflag:$0x1] =	stream.indirect_vreg.gather [hbm4b:s9+s4], $0x80, v5, vm0, $0xb8;
	[tilespmem:$0x1B200] =	vst v63  }
0x10e: {  	s31 =	simm.s32 $0xE200  }
0x10f: {  	[tilespmem:s31], [sflag:$0x1] =	stream.indirect_vreg.gather [hbm4b:s10+s4], $0x80, v5, vm0, $0xb8;
	[tilespmem:$0x1B200] =	vst v63  }
0x110: {  	s5 =	simm.s32 $0xEA00  }
0x111: {  	[tilespmem:s5], [sflag:$0x1] =	stream.indirect_vreg.gather [hbm4b:s11+s4], $0x80, v5, vm0, $0xb8;
	[tilespmem:$0x1B200] =	vst v63  }
0x112: {  	s5 =	simm.s32 $0x2  }
0x113: {  	_ =	swait.ge [sflag:s5], $0xC000  }
0x114: {  	[sflag:s5] =	ssyncset.done $0x0  }
0x115: {  	s31 =	rddreg [dreg:$0x9];
	[sflag:s5] =	ssyncadd.s32 $0xFFFF4000  }
0x116: {  	[hbm4b:s31+s4] =	stream.linear.scatter [tilespmem:s3], [sflag:$0x3], $0xC000, $0x38;
	[tilespmem:$0x1B200] =	vst v63  }
0x117: {  	_ =	swait.ge [sflag:s18], $0xC000  }
0x118: {  	[sflag:s18] =	ssyncset.done $0x0  }
0x119: {  	[sflag:s18] =	ssyncadd.s32 $0xFFFF4000  }
0x11a: {  	v5 =	vld [tilespmem:$0x3090];
	_ =	sdelay $0x4  }
0x11b: {  	v6 =	vshll.u32 v5, $0x3  }
0x11c: {  	v5 =	vand.u32 $0x7, v5;
	v6 =	vand.u32 $0xFFFFFFC0, v6  }
0x11d: {  	v5 =	vor.u32 v5, v6  }
0x11e: {  	v6 =	vperm.xlane v5, v2;
	_ =	sdelay $0x1  }
0x11f: {  	v6 =	vadd.s32 v3, v6;
	_ =	sdelay $0x4  }
0x120: {  	[tilespmem:s3], [sflag:$0x2] =	stream.indirect_vreg.gather [hbm4b:s1+s4], $0x80, v6, vm0, $0xb8;
	[tilespmem:$0x1B200] =	vst v63  }
0x121: {  	s31 =	simm.s32 $0xFA00;
	v5 =	vperm.xlane v5, v4  }
0x122: {  	[tilespmem:s31], [sflag:$0x2] =	stream.indirect_vreg.gather [hbm4b:s9+s4], $0x80, v6, vm0, $0xb8;
	[tilespmem:$0x1B200] =	vst v63  }
0x123: {  	v5 =	vadd.s32 v3, v5;
	s31 =	simm.s32 $0x10200  }
0x124: {  	[tilespmem:s31], [sflag:$0x2] =	stream.indirect_vreg.gather [hbm4b:s10+s4], $0x80, v6, vm0, $0xb8;
	[tilespmem:$0x1B200] =	vst v63  }
0x125: {  	s31 =	simm.s32 $0x10A00  }
0x126: {  	[tilespmem:s31], [sflag:$0x2] =	stream.indirect_vreg.gather [hbm4b:s11+s4], $0x80, v6, vm0, $0xb8;
	[tilespmem:$0x1B200] =	vst v63  }
0x127: {  	s31 =	simm.s32 $0x11200  }
0x128: {  	[tilespmem:s31], [sflag:$0x2] =	stream.indirect_vreg.gather [hbm4b:s1+s4], $0x80, v5, vm0, $0xb8;
	[tilespmem:$0x1B200] =	vst v63  }
0x129: {  	s31 =	simm.s32 $0x11A00  }
0x12a: {  	[tilespmem:s31], [sflag:$0x2] =	stream.indirect_vreg.gather [hbm4b:s9+s4], $0x80, v5, vm0, $0xb8;
	[tilespmem:$0x1B200] =	vst v63  }
0x12b: {  	s31 =	simm.s32 $0x12200  }
0x12c: {  	[tilespmem:s31], [sflag:$0x2] =	stream.indirect_vreg.gather [hbm4b:s10+s4], $0x80, v5, vm0, $0xb8;
	[tilespmem:$0x1B200] =	vst v63  }
0x12d: {  	s31 =	simm.s32 $0x12A00  }
0x12e: {  	[tilespmem:s31], [sflag:$0x2] =	stream.indirect_vreg.gather [hbm4b:s11+s4], $0x80, v5, vm0, $0xb8;
	[tilespmem:$0x1B200] =	vst v63  }
0x12f: {  	v5 =	vld [tilespmem:$0x30A0];
	_ =	sdelay $0x4  }
0x130: {  	v6 =	vshll.u32 v5, $0x3  }
0x131: {  	v5 =	vand.u32 $0x7, v5;
	v6 =	vand.u32 $0xFFFFFFC0, v6  }
0x132: {  	v5 =	vor.u32 v5, v6  }
0x133: {  	v6 =	vperm.xlane v5, v2;
	_ =	sdelay $0x1  }
0x134: {  	v6 =	vadd.s32 v3, v6;
	_ =	sdelay $0x3  }
0x135: {  	s31 =	simm.s32 $0x13200  }
0x136: {  	[tilespmem:s31], [sflag:$0x2] =	stream.indirect_vreg.gather [hbm4b:s1+s4], $0x80, v6, vm0, $0xb8;
	[tilespmem:$0x1B200] =	vst v63  }
0x137: {  	v5 =	vperm.xlane v5, v4;
	s31 =	simm.s32 $0x13A00  }
0x138: {  	[tilespmem:s31], [sflag:$0x2] =	stream.indirect_vreg.gather [hbm4b:s9+s4], $0x80, v6, vm0, $0xb8;
	[tilespmem:$0x1B200] =	vst v63  }
0x139: {  	v5 =	vadd.s32 v3, v5;
	s31 =	simm.s32 $0x14200  }
0x13a: {  	[tilespmem:s31], [sflag:$0x2] =	stream.indirect_vreg.gather [hbm4b:s10+s4], $0x80, v6, vm0, $0xb8;
	[tilespmem:$0x1B200] =	vst v63  }
0x13b: {  	s31 =	simm.s32 $0x14A00  }
0x13c: {  	[tilespmem:s31], [sflag:$0x2] =	stream.indirect_vreg.gather [hbm4b:s11+s4], $0x80, v6, vm0, $0xb8;
	[tilespmem:$0x1B200] =	vst v63  }
0x13d: {  	s31 =	simm.s32 $0x15200  }
0x13e: {  	[tilespmem:s31], [sflag:$0x2] =	stream.indirect_vreg.gather [hbm4b:s1+s4], $0x80, v5, vm0, $0xb8;
	[tilespmem:$0x1B200] =	vst v63  }
0x13f: {  	s31 =	simm.s32 $0x15A00  }
0x140: {  	[tilespmem:s31], [sflag:$0x2] =	stream.indirect_vreg.gather [hbm4b:s9+s4], $0x80, v5, vm0, $0xb8;
	[tilespmem:$0x1B200] =	vst v63  }
0x141: {  	s31 =	simm.s32 $0x16200  }
0x142: {  	[tilespmem:s31], [sflag:$0x2] =	stream.indirect_vreg.gather [hbm4b:s10+s4], $0x80, v5, vm0, $0xb8;
	[tilespmem:$0x1B200] =	vst v63  }
0x143: {  	s31 =	simm.s32 $0x16A00  }
0x144: {  	[tilespmem:s31], [sflag:$0x2] =	stream.indirect_vreg.gather [hbm4b:s11+s4], $0x80, v5, vm0, $0xb8;
	[tilespmem:$0x1B200] =	vst v63  }
0x145: {  	v5 =	vld [tilespmem:$0x30B0];
	_ =	sdelay $0x4  }
0x146: {  	v6 =	vshll.u32 v5, $0x3  }
0x147: {  	v5 =	vand.u32 $0x7, v5;
	v6 =	vand.u32 $0xFFFFFFC0, v6  }
0x148: {  	v5 =	vor.u32 v5, v6  }
0x149: {  	v6 =	vperm.xlane v5, v2;
	_ =	sdelay $0x1  }
0x14a: {  	v6 =	vadd.s32 v3, v6;
	_ =	sdelay $0x3  }
0x14b: {  	s31 =	simm.s32 $0x17200  }
0x14c: {  	[tilespmem:s31], [sflag:$0x2] =	stream.indirect_vreg.gather [hbm4b:s1+s4], $0x80, v6, vm0, $0xb8;
	[tilespmem:$0x1B200] =	vst v63  }
0x14d: {  	v5 =	vperm.xlane v5, v4;
	s31 =	simm.s32 $0x17A00  }
0x14e: {  	[tilespmem:s31], [sflag:$0x2] =	stream.indirect_vreg.gather [hbm4b:s9+s4], $0x80, v6, vm0, $0xb8;
	[tilespmem:$0x1B200] =	vst v63  }
0x14f: {  	v5 =	vadd.s32 v3, v5;
	s31 =	simm.s32 $0x18200  }
0x150: {  	[tilespmem:s31], [sflag:$0x2] =	stream.indirect_vreg.gather [hbm4b:s10+s4], $0x80, v6, vm0, $0xb8;
	[tilespmem:$0x1B200] =	vst v63  }
0x151: {  	s31 =	simm.s32 $0x18A00  }
0x152: {  	[tilespmem:s31], [sflag:$0x2] =	stream.indirect_vreg.gather [hbm4b:s11+s4], $0x80, v6, vm0, $0xb8;
	[tilespmem:$0x1B200] =	vst v63  }
0x153: {  	s31 =	simm.s32 $0x19200  }
0x154: {  	[tilespmem:s31], [sflag:$0x2] =	stream.indirect_vreg.gather [hbm4b:s1+s4], $0x80, v5, vm0, $0xb8;
	[tilespmem:$0x1B200] =	vst v63  }
0x155: {  	s31 =	simm.s32 $0x19A00  }
0x156: {  	[tilespmem:s31], [sflag:$0x2] =	stream.indirect_vreg.gather [hbm4b:s9+s4], $0x80, v5, vm0, $0xb8;
	[tilespmem:$0x1B200] =	vst v63  }
0x157: {  	s31 =	simm.s32 $0x1A200  }
0x158: {  	[tilespmem:s31], [sflag:$0x2] =	stream.indirect_vreg.gather [hbm4b:s10+s4], $0x80, v5, vm0, $0xb8;
	[tilespmem:$0x1B200] =	vst v63  }
0x159: {  	s31 =	simm.s32 $0x1AA00  }
0x15a: {  	[tilespmem:s31], [sflag:$0x2] =	stream.indirect_vreg.gather [hbm4b:s11+s4], $0x80, v5, vm0, $0xb8;
	[tilespmem:$0x1B200] =	vst v63  }
0x15b: {  	_ =	swait.ge [sflag:s2], $0xC000  }
0x15c: {  	[sflag:s2] =	ssyncset.done $0x0  }
0x15d: {  	s30 =	simm.s32 $0x3200;
	s31 =	rddreg [dreg:$0xa];
	[sflag:s2] =	ssyncadd.s32 $0xFFFF4000  }
0x15e: {  	[hbm4b:s31+s4] =	stream.linear.scatter [tilespmem:s30], [sflag:$0x3], $0xC000, $0x38;
	[tilespmem:$0x1B200] =	vst v63  }
0x15f: {  	_ =	swait.ge [sflag:s18], $0xC000  }
0x160: {  	[sflag:s18] =	ssyncset.done $0x0  }
0x161: {  	[sflag:s18] =	ssyncadd.s32 $0xFFFF4000  }
0x162: {  	_ =	swait.ge [sflag:s5], $0xC000  }
0x163: {  	[sflag:s5] =	ssyncset.done $0x0  }
0x164: {  	s30 =	rddreg [dreg:$0xb];
	[sflag:s5] =	ssyncadd.s32 $0xFFFF4000  }
0x165: {  	[hbm4b:s30+s4] =	stream.linear.scatter [tilespmem:s3], [sflag:$0x3], $0xC000, $0x38;
	[tilespmem:$0x1B200] =	vst v63  }
0x166: {  	_ =	swait.ge [sflag:s18], $0xC000  }
0x167: {  	s6 =	sadd.s32 $0x1, s6;
	s31 =	rddreg [dreg:$0xc]  }
0x168: {  	p0 =	sne.s32 s6, s31  }
.Ltmp1:
0x169: {  	_ = 	snop;
	(pc) =	sbr.rel @p0 .LBB2_1-.Ltmp1, $3  }
0x16a: {  	_ =	sdelay $0x1  }
0x16b: {  	[sflag:s18] =	ssyncset.done $0x0  }
0x16c: {  	[sflag:s18] =	ssyncadd.s32 $0xFFFF4000  }
0x16d: {  	_ =	sfence.sel $0x180000  }
0x16e: {  	[bflag:$0x0] =	sbarrier.arrive $0xFFFF  }
0x16f: {  	_ =	strace $0x90000047  }
0x170: {  	s0 =	stileid.u32;
	[bflag:$0x2] =	sbarrier.arrive $0xFFFF  }
0x171: {  	p0 =	sne.s32 s0, $0x0;
	s0 =	rddreg [dreg:$0x3]  }
0x172: {  	s0 =	sadd.s32 @!p0 $0x100000, s0  }
0x173: {  	[sflag:s0] =	ssyncadd.tile.s32 @!p0 $0x1;
	_ =	shalt  }
.Lfunc_end2:
_tile_overlayer_lowered:
.L_overlay_start_2:
0x174: {  	(tag) =	ssettag $0x2  }
0x175: {  	s0 =	rddreg [dreg:$0x0];
	s2 =	stileid.u32  }
0x176: {  	s1 =	rddreg [dreg:$0x1];
	p0 =	sne.s32 s2, $0x0  }
0x177: {  	s3 =	rddreg [dreg:$0x2];
	[bflag:$0x3] =	sbarrier.arrive $0xFFFF;
	s2 =	simm.s32 @!p0 $0x1C03  }
0x178: {  	[timem:s3], [sflag:s2] =	dma.local @!p0 [hbm:s0], s1  }
0x179: {  	s0 =	simm.s32 @!p0 $0x3  }
0x17a: {  	_ =	swait.ge @!p0 [sflag:s0], s1  }
0x17b: {  	s1 =	ssub.s32 @!p0 $0x0, s1;
	[sflag:s0] =	ssyncset.done @!p0 $0x0  }
0x17c: {  	[sflag:s0] =	ssyncadd.s32 @!p0 s1  }
0x17d: {  	[bflag:$0x3] =	sbarrier.arrive $0xFFFF  }
0x17e: {  	_ =	shalt  }

</sc_bundles>
